<compile_context>
chip_gen: v7x
topology: tpu7x:2x2x1
jax: 0.10.2.dev20260603
libtpu: 0.0.44.dev20260713+nightly
codegen_flags: <defaults>
</compile_context>

<pallas_src>
import functools

import jax
import jax.numpy as jnp
from jax import lax
from jax.experimental import pallas as pl
from jax.experimental.pallas import tpu as pltpu
from jax.experimental.pallas import tpu_sc as plsc

NC = 2
NS = 16
LANES = 16
K = 128
RB = 2
IB = 4
MAXCH = 79


def _tile_chunks(wid, total_chunks):
    nw = NC * NS
    base = total_chunks // nw
    rem = total_chunks - base * nw
    nch = base + jnp.where(wid < rem, 1, 0)
    c0 = wid * base + jnp.minimum(wid, rem)
    return c0, nch


def _sc_degree(NPAD, RPT, TCH):
    mesh = plsc.VectorSubcoreMesh(core_axis_name="c", subcore_axis_name="s")

    @functools.partial(
        pl.kernel,
        out_type=jax.ShapeDtypeStruct((NC, NPAD), jnp.float32),
        mesh=mesh,
        scratch_types=[
            pltpu.VMEM((MAXCH, 2, K), jnp.int32),
            pltpu.VMEM((K,), jnp.float32),
            pltpu.VMEM((RPT,), jnp.float32),
            pltpu.VMEM_SHARED((NPAD,), jnp.float32),
            pltpu.SemaphoreType.DMA,
            pltpu.SemaphoreType.DMA,
        ],
    )
    def deg_kernel(e_hbm, out_hbm, idxb, ones_v, zvec_v, deg_sh, lsem, ssem):
        c = lax.axis_index("c")
        s = lax.axis_index("s")
        wid = s * NC + c
        c0, nch = _tile_chunks(wid, TCH)

        def stage(i, carry):
            pltpu.async_copy(e_hbm.at[:, pl.ds((c0 + i) * K, K)], idxb.at[i],
                             lsem)
            return carry

        lax.fori_loop(0, nch, stage, 0)

        def zfill(i, carry):
            zvec_v[pl.ds(i * LANES, LANES)] = jnp.zeros((LANES,), jnp.float32)
            return carry

        lax.fori_loop(0, RPT // LANES, zfill, 0)
        pltpu.sync_copy(zvec_v, deg_sh.at[pl.ds(s * RPT, RPT)])
        for j in range(K // LANES):
            ones_v[pl.ds(j * LANES, LANES)] = jnp.ones((LANES,), jnp.float32)

        def sdrain(i, carry):
            pltpu.make_async_copy(e_hbm.at[:, pl.ds((c0 + i) * K, K)],
                                  idxb.at[i], lsem).wait()
            return carry

        lax.fori_loop(0, nch, sdrain, 0)
        plsc.subcore_barrier()

        def fire(i, carry):
            pltpu.async_copy(ones_v, deg_sh.at[idxb.at[i, 1]], ssem, add=True)
            return carry

        lax.fori_loop(0, nch, fire, 0)

        def drain(i, carry):
            pltpu.make_async_copy(ones_v, deg_sh.at[idxb.at[i, 1]], ssem).wait()
            return carry

        lax.fori_loop(0, nch, drain, 0)
        plsc.subcore_barrier()
        pltpu.sync_copy(deg_sh.at[pl.ds(s * RPT, RPT)],
                        out_hbm.at[c, pl.ds(s * RPT, RPT)])

    return deg_kernel


def _sc_aggregate(NPAD, RPT, TCH, D):
    mesh = plsc.VectorSubcoreMesh(core_axis_name="c", subcore_axis_name="s")

    @functools.partial(
        pl.kernel,
        out_type=jax.ShapeDtypeStruct((NC, NS, RPT, D), jnp.float32),
        mesh=mesh,
        scratch_types=[
            pltpu.VMEM((IB, 2, K), jnp.int32),
            pltpu.VMEM((RB, K, D), jnp.float32),
            pltpu.VMEM_SHARED((NPAD, D), jnp.float32),
            pltpu.SemaphoreType.DMA((IB,)),
            pltpu.SemaphoreType.DMA((RB,)),
            pltpu.SemaphoreType.DMA((RB,)),
        ],
    )
    def agg_kernel(h_hbm, e_hbm, out_hbm, ibuf, rows_v, accum_sh, isem, gsem, ssem):
        c = lax.axis_index("c")
        s = lax.axis_index("s")
        wid = s * NC + c
        c0, nch = _tile_chunks(wid, TCH)

        def icopy(chunk, slot):
            pltpu.async_copy(e_hbm.at[:, pl.ds((c0 + chunk) * K, K)],
                             ibuf.at[slot], isem.at[slot])

        def iwait(chunk, slot):
            pltpu.make_async_copy(e_hbm.at[:, pl.ds((c0 + chunk) * K, K)],
                                  ibuf.at[slot], isem.at[slot]).wait()

        def zfill(r, carry):
            for j in range(D // LANES):
                rows_v[0, r, pl.ds(j * LANES, LANES)] = jnp.zeros((LANES,), jnp.float32)
            return carry

        lax.fori_loop(0, K, zfill, 0)

        def zcopy(k, carry):
            pltpu.sync_copy(rows_v.at[0], accum_sh.at[pl.ds(s * RPT + k * K, K)])
            return carry

        lax.fori_loop(0, RPT // K, zcopy, 0)
        plsc.subcore_barrier()

        icopy(0, 0)
        iwait(0, 0)
        pltpu.async_copy(h_hbm.at[ibuf.at[0, 0]], rows_v.at[0], gsem.at[0])
        icopy(1, 1)

        def step(i, carry):
            p = lax.rem(i, RB)
            q = lax.rem(i + 1, RB)
            pi = lax.rem(i, IB)
            qi = lax.rem(i + 1, IB)
            ni = lax.rem(i + 2, IB)

            @pl.when(i + 1 < nch)
            def _():
                iwait(i + 1, qi)

                @pl.when(i >= 1)
                def _():
                    pltpu.make_async_copy(rows_v.at[q],
                                          accum_sh.at[ibuf.at[qi, 1]],
                                          ssem.at[q]).wait()

                pltpu.async_copy(h_hbm.at[ibuf.at[qi, 0]], rows_v.at[q],
                                 gsem.at[q])

            pltpu.make_async_copy(h_hbm.at[ibuf.at[pi, 0]], rows_v.at[p],
                                  gsem.at[p]).wait()
            pltpu.async_copy(rows_v.at[p], accum_sh.at[ibuf.at[pi, 1]],
                             ssem.at[p], add=True)

            @pl.when(i + 2 < nch)
            def _():
                icopy(i + 2, ni)

            return carry

        lax.fori_loop(0, nch, step, 0)

        def fdrain(j, carry):
            r = lax.rem(j, RB)
            pltpu.make_async_copy(rows_v.at[r], accum_sh.at[ibuf.at[0, 1]],
                                  ssem.at[r]).wait()
            return carry

        lax.fori_loop(0, RB, fdrain, 0)
        plsc.subcore_barrier()
        pltpu.sync_copy(accum_sh.at[pl.ds(s * RPT, RPT)], out_hbm.at[c, s])

    return agg_kernel


def _norm_from(dp0, dp1):
    deg = dp0 + dp1
    return jnp.where(deg > 0, lax.rsqrt(jnp.maximum(deg, 1.0)), 0.0)


def _tc_linear(N, D, NPAD, Bn):
    def body(x_ref, w_ref, b_ref, dp_ref, out_ref):
        i = pl.program_id(0)
        norm = _norm_from(dp_ref[0, pl.ds(i * Bn, Bn)], dp_ref[1, pl.ds(i * Bn, Bn)])
        h = lax.dot_general(x_ref[...], w_ref[...], (((1,), (1,)), ((), ())),
                            preferred_element_type=jnp.float32)
        out_ref[...] = (h + b_ref[...]) * norm[:, None]

    return pl.pallas_call(
        body,
        grid=(NPAD // Bn,),
        in_specs=[
            pl.BlockSpec((Bn, D), lambda i: (i, 0)),
            pl.BlockSpec((D, D), lambda i: (0, 0)),
            pl.BlockSpec((1, D), lambda i: (0, 0)),
            pl.BlockSpec((NC, NPAD), lambda i: (0, 0)),
        ],
        out_specs=pl.BlockSpec((Bn, D), lambda i: (i, 0)),
        out_shape=jax.ShapeDtypeStruct((N, D), jnp.float32),
    )


def _tc_finish(N, D, NPAD, Bn):
    def body(ap_ref, dp_ref, out_ref):
        i = pl.program_id(0)
        norm = _norm_from(dp_ref[0, pl.ds(i * Bn, Bn)], dp_ref[1, pl.ds(i * Bn, Bn)])
        a = ap_ref[0] + ap_ref[1]
        out_ref[...] = jnp.maximum(a * norm[:, None], 0.0)

    return pl.pallas_call(
        body,
        grid=(NPAD // Bn,),
        in_specs=[
            pl.BlockSpec((NC, Bn, D), lambda i: (0, i, 0)),
            pl.BlockSpec((NC, NPAD), lambda i: (0, 0)),
        ],
        out_specs=pl.BlockSpec((Bn, D), lambda i: (i, 0)),
        out_shape=jax.ShapeDtypeStruct((N, D), jnp.float32),
    )


def kernel(features, edge_index, W, b):
    N, D = features.shape
    E = edge_index.shape[1]
    TCH = E // K
    NPAD = ((N + NS * LANES - 1) // (NS * LANES)) * (NS * LANES)
    RPT = NPAD // NS
    Bn = 1024

    edge = edge_index.astype(jnp.int32)

    dp = _sc_degree(NPAD, RPT, TCH)(edge)
    h = _tc_linear(N, D, NPAD, Bn)(features, W, b.reshape(1, D), dp)
    ap = _sc_aggregate(NPAD, RPT, TCH, D)(h, edge).reshape(NC, NPAD, D)
    out = _tc_finish(N, D, NPAD, Bn)(ap, dp)
    return out

# --- scband reference (transcript-rebuilt; emitter-appended) ---
"""Pipeline reference for scband-gcnlayer-6416681140652 (READ-ONLY COPY).

The authoritative reference and input builder live on the scoring server;
editing this copy changes nothing except your own understanding.
"""

import jax, jax.numpy as jnp
import numpy as np

N = 10000
E = 320000
D_IN = 128
D_OUT = 128


def setup_inputs(seed: int = 0) -> dict:
    key = jax.random.key(seed)
    k1, k2, k3, k4 = jax.random.split(key, 4)
    x = jax.random.normal(k1, (N, D_IN), dtype=jnp.float32)
    edge_index = jax.random.randint(k2, (2, E), 0, N)
    # Linear layer params (nn.Linear(in_dim, out_dim)): W [out, in], b [out]
    bound = 1.0 / np.sqrt(D_IN)
    W = jax.random.uniform(k3, (D_OUT, D_IN), dtype=jnp.float32, minval=-bound, maxval=bound)
    b = jax.random.uniform(k4, (D_OUT,), dtype=jnp.float32, minval=-bound, maxval=bound)
    return {"features": x, "edge_index": edge_index, "W": W, "b": b}


def reference(features, edge_index, W, b):
    src = edge_index[0]
    dst = edge_index[1]
    n = features.shape[0]
    # symmetric GCN norm: deg^{-1/2} computed from in-degree
    deg = jnp.zeros((n,), dtype=jnp.float32).at[dst].add(1.0)
    norm = jnp.where(deg > 0, jax.lax.rsqrt(jnp.maximum(deg, 1.0)), 0.0)[:, None]
    # apply_nodes: h = Linear(h)
    h = features @ W.T + b
    # gcn_msg: m = h[src] * norm[src]
    msg = jnp.take(h, src, axis=0) * jnp.take(norm, src, axis=0)
    # gcn_reduce: sum over incoming messages * norm[dst]
    accum = jax.ops.segment_sum(msg, dst, num_segments=n) * norm
    # activation (relu); dropout is identity in eval mode
    out = jax.nn.relu(accum)
    return out

if __name__ == "__main__":
    import jax
    _d = setup_inputs()
    print(jax.jit(kernel)(*tuple(_d.values())))

</pallas_src>

<mosaic_0001>
#map = affine_map<(d0, d1) -> (0, 0)>
module attributes {stable_mosaic.version = 14 : i64} {
  func.func @deg_kernel(%arg0: i32, %arg1: i32, %arg2: memref<2x320000xi32, #tpu.memory_space<hbm>>, %arg3: memref<2x10240xf32, #tpu.memory_space<hbm>>, %arg4: memref<79x2x128xi32, #tpu.memory_space<vmem>>, %arg5: memref<128xf32, #tpu.memory_space<vmem>>, %arg6: memref<640xf32, #tpu.memory_space<vmem>>, %arg7: memref<10240xf32, #tpu.memory_space<vmem_shared>>, %arg8: memref<!tpu.dma_semaphore, #tpu.memory_space<semaphore_mem>>, %arg9: memref<!tpu.dma_semaphore, #tpu.memory_space<semaphore_mem>>) attributes {dimension_semantics = [#tpu.dimension_semantics<core_parallel>, #tpu.dimension_semantics<subcore_parallel>], iteration_bounds = array<i64: 2, 16>, scalar_prefetch = 0 : i64, scratch_operands = 6 : i64, tpu.core_type = #tpu.core_type<sc_vector_subcore>, window_params = [{transform_indices = #map}, {transform_indices = #map}]} {
    %mul3A = arith.constant 2 : i32
    %mul3A_0 = arith.muli %arg1, %mul3A : i32
    %add3A = arith.addi %mul3A_0, %arg0 : i32
    %lt3A = arith.constant 4 : i32
    %lt3A_1 = arith.cmpi slt, %add3A, %lt3A : i32
    %jit3A = arith.constant 1 : i32
    %jit3A_2 = arith.constant 0 : i32
    %select_n3A = arith.select %lt3A_1, %jit3A, %jit3A_2 : i32
    %add3A_3 = arith.constant 78 : i32
    %add3A_4 = arith.addi %add3A_3, %select_n3A : i32
    %mul3A_5 = arith.constant 78 : i32
    %mul3A_6 = arith.muli %add3A, %mul3A_5 : i32
    %min3A = arith.constant 4 : i32
    %min3A_7 = arith.minsi %add3A, %min3A : i32
    %add3A_8 = arith.addi %mul3A_6, %min3A_7 : i32
    %while3A = arith.constant 0 : i32
    %while3A_9 = arith.constant 0 : i32
    %while3A_10 = arith.subi %add3A_4, %while3A_9 : i32
    %while3A_11 = arith.addi %while3A_9, %while3A_10 : i32
    %while3A_12 = arith.constant 1 : i32
    %while3A_13 = arith.divsi %while3A_10, %while3A_12 : i32
    %while3A_14 = arith.muli %while3A_13, %while3A_12 : i32
    %while3A_15 = arith.addi %while3A_9, %while3A_14 : i32
    %while3A_16 = arith.constant 1 : i32
    scf.for %while3A_106 = %while3A_9 to %while3A_15 step %while3A_16  : i32 {
      %add3A_107 = arith.addi %add3A_8, %while3A_106 : i32
      %mul3A_108 = arith.constant 128 : i32
      %mul3A_109 = arith.muli %add3A_107, %mul3A_108 : i32
      %dma_start3A = arith.constant 0 : i32
      %dma_start3A_110 = arith.constant 0 : i32
      %dma_start3A_111 = tpu.memref_slice %arg4[%while3A_106, %dma_start3A, %dma_start3A_110] : memref<79x2x128xi32, #tpu.memory_space<vmem>> -> memref<1x2x128xi32, #tpu.memory_space<vmem>>
      %dma_start3A_112 = tpu.memref_squeeze %dma_start3A_111 : memref<1x2x128xi32, #tpu.memory_space<vmem>> -> memref<2x128xi32, #tpu.memory_space<vmem>>
      %dma_start3A_113 = arith.constant 0 : i32
      %dma_start3A_114 = tpu.memref_slice %arg2[%dma_start3A_113, %mul3A_109] : memref<2x320000xi32, #tpu.memory_space<hbm>> -> memref<2x128xi32, #tpu.memory_space<hbm>>
      %dma_start3A_115 = arith.constant 0 : i32
      %dma_start3A_116 = arith.constant 0 : i32
      %dma_start3A_117 = tpu.memref_slice %arg4[%while3A_106, %dma_start3A_115, %dma_start3A_116] : memref<79x2x128xi32, #tpu.memory_space<vmem>> -> memref<1x2x128xi32, #tpu.memory_space<vmem>>
      %dma_start3A_118 = tpu.memref_squeeze %dma_start3A_117 : memref<1x2x128xi32, #tpu.memory_space<vmem>> -> memref<2x128xi32, #tpu.memory_space<vmem>>
      %dma_start3A_119 = arith.constant 0 : i32
      %dma_start3A_120 = tpu.memref_slice %arg2[%dma_start3A_119, %mul3A_109] : memref<2x320000xi32, #tpu.memory_space<hbm>> -> memref<2x128xi32, #tpu.memory_space<hbm>>
      tpu.enqueue_dma source(%dma_start3A_120 : memref<2x128xi32, #tpu.memory_space<hbm>>) target(%dma_start3A_118 : memref<2x128xi32, #tpu.memory_space<vmem>>) target_semaphore(%arg8 : memref<!tpu.dma_semaphore, #tpu.memory_space<semaphore_mem>>)
    }
    %while3A_17 = arith.constant 1 : i32
    scf.for %while3A_106 = %while3A_15 to %while3A_11 step %while3A_17  : i32 {
      %add3A_107 = arith.addi %add3A_8, %while3A_106 : i32
      %mul3A_108 = arith.constant 128 : i32
      %mul3A_109 = arith.muli %add3A_107, %mul3A_108 : i32
      %dma_start3A = arith.constant 0 : i32
      %dma_start3A_110 = arith.constant 0 : i32
      %dma_start3A_111 = tpu.memref_slice %arg4[%while3A_106, %dma_start3A, %dma_start3A_110] : memref<79x2x128xi32, #tpu.memory_space<vmem>> -> memref<1x2x128xi32, #tpu.memory_space<vmem>>
      %dma_start3A_112 = tpu.memref_squeeze %dma_start3A_111 : memref<1x2x128xi32, #tpu.memory_space<vmem>> -> memref<2x128xi32, #tpu.memory_space<vmem>>
      %dma_start3A_113 = arith.constant 0 : i32
      %dma_start3A_114 = tpu.memref_slice %arg2[%dma_start3A_113, %mul3A_109] : memref<2x320000xi32, #tpu.memory_space<hbm>> -> memref<2x128xi32, #tpu.memory_space<hbm>>
      %dma_start3A_115 = arith.constant 0 : i32
      %dma_start3A_116 = arith.constant 0 : i32
      %dma_start3A_117 = tpu.memref_slice %arg4[%while3A_106, %dma_start3A_115, %dma_start3A_116] : memref<79x2x128xi32, #tpu.memory_space<vmem>> -> memref<1x2x128xi32, #tpu.memory_space<vmem>>
      %dma_start3A_118 = tpu.memref_squeeze %dma_start3A_117 : memref<1x2x128xi32, #tpu.memory_space<vmem>> -> memref<2x128xi32, #tpu.memory_space<vmem>>
      %dma_start3A_119 = arith.constant 0 : i32
      %dma_start3A_120 = tpu.memref_slice %arg2[%dma_start3A_119, %mul3A_109] : memref<2x320000xi32, #tpu.memory_space<hbm>> -> memref<2x128xi32, #tpu.memory_space<hbm>>
      tpu.enqueue_dma source(%dma_start3A_120 : memref<2x128xi32, #tpu.memory_space<hbm>>) target(%dma_start3A_118 : memref<2x128xi32, #tpu.memory_space<vmem>>) target_semaphore(%arg8 : memref<!tpu.dma_semaphore, #tpu.memory_space<semaphore_mem>>)
    }
    %scan3A = arith.constant 0 : i32
    %scan3A_18 = arith.constant 0 : i32
    %scan3A_19 = arith.constant 40 : i32
    %scan3A_20 = arith.addi %scan3A_18, %scan3A_19 : i32
    %scan3A_21 = arith.constant 1 : i32
    scf.for %scan3A_106 = %scan3A_18 to %scan3A_20 step %scan3A_21  : i32 {
      %broadcast_in_dim3A_107 = arith.constant 0.000000e+00 : f32
      %broadcast_in_dim3A_108 = vector.broadcast %broadcast_in_dim3A_107 : f32 to vector<16xf32>
      %mul3A_109 = arith.constant 16 : i32
      %mul3A_110 = arith.muli %scan3A_106, %mul3A_109 : i32
      %swap3A_111 = arith.index_cast %mul3A_110 : i32 to index
      %swap3A_112 = tpu.vector_load %arg6[%swap3A_111] {strides = array<i32>} : memref<640xf32, #tpu.memory_space<vmem>>, vector<16xf32>,
      %swap3A_113 = vector.shape_cast %swap3A_112 : vector<16xf32> to vector<16xf32>
      %swap3A_114 = vector.shape_cast %broadcast_in_dim3A_108 : vector<16xf32> to vector<16xf32>
      tpu.vector_store %arg6[%swap3A_111], %swap3A_114 {strides = array<i32>} : memref<640xf32, #tpu.memory_space<vmem>>, vector<16xf32>,
    }
    %scan3A_22 = arith.constant 40 : i32
    %mul3A_23 = arith.constant 640 : i32
    %mul3A_24 = arith.muli %arg1, %mul3A_23 : i32
    "tpu.region"() ({
      %run_scoped3A = tpu.sem_alloc : memref<!tpu.dma_semaphore, #tpu.memory_space<semaphore_mem>>
      %dma_start3A = tpu.memref_slice %arg7[%mul3A_24] : memref<10240xf32, #tpu.memory_space<vmem_shared>> -> memref<640xf32, #tpu.memory_space<vmem_shared>>
      %dma_start3A_106 = tpu.memref_slice %arg7[%mul3A_24] : memref<10240xf32, #tpu.memory_space<vmem_shared>> -> memref<640xf32, #tpu.memory_space<vmem_shared>>
      tpu.enqueue_dma source(%arg6 : memref<640xf32, #tpu.memory_space<vmem>>) target(%dma_start3A_106 : memref<640xf32, #tpu.memory_space<vmem_shared>>) target_semaphore(%run_scoped3A : memref<!tpu.dma_semaphore, #tpu.memory_space<semaphore_mem>>)
      %dma_wait3A = tpu.memref_slice %arg7[%mul3A_24] : memref<10240xf32, #tpu.memory_space<vmem_shared>> -> memref<640xf32, #tpu.memory_space<vmem_shared>>
      %dma_wait3A_107 = tpu.memref_slice %arg7[%mul3A_24] : memref<10240xf32, #tpu.memory_space<vmem_shared>> -> memref<640xf32, #tpu.memory_space<vmem_shared>>
      tpu.wait_dma2 semaphore(%run_scoped3A : memref<!tpu.dma_semaphore, #tpu.memory_space<semaphore_mem>>) src(%arg6 : memref<640xf32, #tpu.memory_space<vmem>>) dst(%dma_wait3A_107 : memref<640xf32, #tpu.memory_space<vmem_shared>>)
      tpu.yield
    }) : () -> ()
    %broadcast_in_dim3A = arith.constant 1.000000e+00 : f32
    %broadcast_in_dim3A_25 = vector.broadcast %broadcast_in_dim3A : f32 to vector<16xf32>
    %swap3A = arith.constant 0 : index
    %swap3A_26 = tpu.vector_load %arg5[%swap3A] {strides = array<i32>} : memref<128xf32, #tpu.memory_space<vmem>>, vector<16xf32>,
    %swap3A_27 = vector.shape_cast %swap3A_26 : vector<16xf32> to vector<16xf32>
    %swap3A_28 = vector.shape_cast %broadcast_in_dim3A_25 : vector<16xf32> to vector<16xf32>
    tpu.vector_store %arg5[%swap3A], %swap3A_28 {strides = array<i32>} : memref<128xf32, #tpu.memory_space<vmem>>, vector<16xf32>,
    %broadcast_in_dim3A_29 = arith.constant 1.000000e+00 : f32
    %broadcast_in_dim3A_30 = vector.broadcast %broadcast_in_dim3A_29 : f32 to vector<16xf32>
    %swap3A_31 = arith.constant 16 : index
    %swap3A_32 = tpu.vector_load %arg5[%swap3A_31] {strides = array<i32>} : memref<128xf32, #tpu.memory_space<vmem>>, vector<16xf32>,
    %swap3A_33 = vector.shape_cast %swap3A_32 : vector<16xf32> to vector<16xf32>
    %swap3A_34 = vector.shape_cast %broadcast_in_dim3A_30 : vector<16xf32> to vector<16xf32>
    tpu.vector_store %arg5[%swap3A_31], %swap3A_34 {strides = array<i32>} : memref<128xf32, #tpu.memory_space<vmem>>, vector<16xf32>,
    %broadcast_in_dim3A_35 = arith.constant 1.000000e+00 : f32
    %broadcast_in_dim3A_36 = vector.broadcast %broadcast_in_dim3A_35 : f32 to vector<16xf32>
    %swap3A_37 = arith.constant 32 : index
    %swap3A_38 = tpu.vector_load %arg5[%swap3A_37] {strides = array<i32>} : memref<128xf32, #tpu.memory_space<vmem>>, vector<16xf32>,
    %swap3A_39 = vector.shape_cast %swap3A_38 : vector<16xf32> to vector<16xf32>
    %swap3A_40 = vector.shape_cast %broadcast_in_dim3A_36 : vector<16xf32> to vector<16xf32>
    tpu.vector_store %arg5[%swap3A_37], %swap3A_40 {strides = array<i32>} : memref<128xf32, #tpu.memory_space<vmem>>, vector<16xf32>,
    %broadcast_in_dim3A_41 = arith.constant 1.000000e+00 : f32
    %broadcast_in_dim3A_42 = vector.broadcast %broadcast_in_dim3A_41 : f32 to vector<16xf32>
    %swap3A_43 = arith.constant 48 : index
    %swap3A_44 = tpu.vector_load %arg5[%swap3A_43] {strides = array<i32>} : memref<128xf32, #tpu.memory_space<vmem>>, vector<16xf32>,
    %swap3A_45 = vector.shape_cast %swap3A_44 : vector<16xf32> to vector<16xf32>
    %swap3A_46 = vector.shape_cast %broadcast_in_dim3A_42 : vector<16xf32> to vector<16xf32>
    tpu.vector_store %arg5[%swap3A_43], %swap3A_46 {strides = array<i32>} : memref<128xf32, #tpu.memory_space<vmem>>, vector<16xf32>,
    %broadcast_in_dim3A_47 = arith.constant 1.000000e+00 : f32
    %broadcast_in_dim3A_48 = vector.broadcast %broadcast_in_dim3A_47 : f32 to vector<16xf32>
    %swap3A_49 = arith.constant 64 : index
    %swap3A_50 = tpu.vector_load %arg5[%swap3A_49] {strides = array<i32>} : memref<128xf32, #tpu.memory_space<vmem>>, vector<16xf32>,
    %swap3A_51 = vector.shape_cast %swap3A_50 : vector<16xf32> to vector<16xf32>
    %swap3A_52 = vector.shape_cast %broadcast_in_dim3A_48 : vector<16xf32> to vector<16xf32>
    tpu.vector_store %arg5[%swap3A_49], %swap3A_52 {strides = array<i32>} : memref<128xf32, #tpu.memory_space<vmem>>, vector<16xf32>,
    %broadcast_in_dim3A_53 = arith.constant 1.000000e+00 : f32
    %broadcast_in_dim3A_54 = vector.broadcast %broadcast_in_dim3A_53 : f32 to vector<16xf32>
    %swap3A_55 = arith.constant 80 : index
    %swap3A_56 = tpu.vector_load %arg5[%swap3A_55] {strides = array<i32>} : memref<128xf32, #tpu.memory_space<vmem>>, vector<16xf32>,
    %swap3A_57 = vector.shape_cast %swap3A_56 : vector<16xf32> to vector<16xf32>
    %swap3A_58 = vector.shape_cast %broadcast_in_dim3A_54 : vector<16xf32> to vector<16xf32>
    tpu.vector_store %arg5[%swap3A_55], %swap3A_58 {strides = array<i32>} : memref<128xf32, #tpu.memory_space<vmem>>, vector<16xf32>,
    %broadcast_in_dim3A_59 = arith.constant 1.000000e+00 : f32
    %broadcast_in_dim3A_60 = vector.broadcast %broadcast_in_dim3A_59 : f32 to vector<16xf32>
    %swap3A_61 = arith.constant 96 : index
    %swap3A_62 = tpu.vector_load %arg5[%swap3A_61] {strides = array<i32>} : memref<128xf32, #tpu.memory_space<vmem>>, vector<16xf32>,
    %swap3A_63 = vector.shape_cast %swap3A_62 : vector<16xf32> to vector<16xf32>
    %swap3A_64 = vector.shape_cast %broadcast_in_dim3A_60 : vector<16xf32> to vector<16xf32>
    tpu.vector_store %arg5[%swap3A_61], %swap3A_64 {strides = array<i32>} : memref<128xf32, #tpu.memory_space<vmem>>, vector<16xf32>,
    %broadcast_in_dim3A_65 = arith.constant 1.000000e+00 : f32
    %broadcast_in_dim3A_66 = vector.broadcast %broadcast_in_dim3A_65 : f32 to vector<16xf32>
    %swap3A_67 = arith.constant 112 : index
    %swap3A_68 = tpu.vector_load %arg5[%swap3A_67] {strides = array<i32>} : memref<128xf32, #tpu.memory_space<vmem>>, vector<16xf32>,
    %swap3A_69 = vector.shape_cast %swap3A_68 : vector<16xf32> to vector<16xf32>
    %swap3A_70 = vector.shape_cast %broadcast_in_dim3A_66 : vector<16xf32> to vector<16xf32>
    tpu.vector_store %arg5[%swap3A_67], %swap3A_70 {strides = array<i32>} : memref<128xf32, #tpu.memory_space<vmem>>, vector<16xf32>,
    %while3A_71 = arith.constant 0 : i32
    %while3A_72 = arith.constant 0 : i32
    %while3A_73 = arith.subi %add3A_4, %while3A_72 : i32
    %while3A_74 = arith.addi %while3A_72, %while3A_73 : i32
    %while3A_75 = arith.constant 1 : i32
    %while3A_76 = arith.divsi %while3A_73, %while3A_75 : i32
    %while3A_77 = arith.muli %while3A_76, %while3A_75 : i32
    %while3A_78 = arith.addi %while3A_72, %while3A_77 : i32
    %while3A_79 = arith.constant 1 : i32
    scf.for %while3A_106 = %while3A_72 to %while3A_78 step %while3A_79  : i32 {
      %add3A_107 = arith.addi %add3A_8, %while3A_106 : i32
      %mul3A_108 = arith.constant 128 : i32
      %mul3A_109 = arith.muli %add3A_107, %mul3A_108 : i32
      %dma_wait3A = arith.constant 0 : i32
      %dma_wait3A_110 = arith.constant 0 : i32
      %dma_wait3A_111 = tpu.memref_slice %arg4[%while3A_106, %dma_wait3A, %dma_wait3A_110] : memref<79x2x128xi32, #tpu.memory_space<vmem>> -> memref<1x2x128xi32, #tpu.memory_space<vmem>>
      %dma_wait3A_112 = tpu.memref_squeeze %dma_wait3A_111 : memref<1x2x128xi32, #tpu.memory_space<vmem>> -> memref<2x128xi32, #tpu.memory_space<vmem>>
      %dma_wait3A_113 = arith.constant 0 : i32
      %dma_wait3A_114 = tpu.memref_slice %arg2[%dma_wait3A_113, %mul3A_109] : memref<2x320000xi32, #tpu.memory_space<hbm>> -> memref<2x128xi32, #tpu.memory_space<hbm>>
      %dma_wait3A_115 = arith.constant 0 : i32
      %dma_wait3A_116 = arith.constant 0 : i32
      %dma_wait3A_117 = tpu.memref_slice %arg4[%while3A_106, %dma_wait3A_115, %dma_wait3A_116] : memref<79x2x128xi32, #tpu.memory_space<vmem>> -> memref<1x2x128xi32, #tpu.memory_space<vmem>>
      %dma_wait3A_118 = tpu.memref_squeeze %dma_wait3A_117 : memref<1x2x128xi32, #tpu.memory_space<vmem>> -> memref<2x128xi32, #tpu.memory_space<vmem>>
      %dma_wait3A_119 = arith.constant 0 : i32
      %dma_wait3A_120 = tpu.memref_slice %arg2[%dma_wait3A_119, %mul3A_109] : memref<2x320000xi32, #tpu.memory_space<hbm>> -> memref<2x128xi32, #tpu.memory_space<hbm>>
      tpu.wait_dma2 semaphore(%arg8 : memref<!tpu.dma_semaphore, #tpu.memory_space<semaphore_mem>>) src(%dma_wait3A_120 : memref<2x128xi32, #tpu.memory_space<hbm>>) dst(%dma_wait3A_118 : memref<2x128xi32, #tpu.memory_space<vmem>>)
    }
    %while3A_80 = arith.constant 1 : i32
    scf.for %while3A_106 = %while3A_78 to %while3A_74 step %while3A_80  : i32 {
      %add3A_107 = arith.addi %add3A_8, %while3A_106 : i32
      %mul3A_108 = arith.constant 128 : i32
      %mul3A_109 = arith.muli %add3A_107, %mul3A_108 : i32
      %dma_wait3A = arith.constant 0 : i32
      %dma_wait3A_110 = arith.constant 0 : i32
      %dma_wait3A_111 = tpu.memref_slice %arg4[%while3A_106, %dma_wait3A, %dma_wait3A_110] : memref<79x2x128xi32, #tpu.memory_space<vmem>> -> memref<1x2x128xi32, #tpu.memory_space<vmem>>
      %dma_wait3A_112 = tpu.memref_squeeze %dma_wait3A_111 : memref<1x2x128xi32, #tpu.memory_space<vmem>> -> memref<2x128xi32, #tpu.memory_space<vmem>>
      %dma_wait3A_113 = arith.constant 0 : i32
      %dma_wait3A_114 = tpu.memref_slice %arg2[%dma_wait3A_113, %mul3A_109] : memref<2x320000xi32, #tpu.memory_space<hbm>> -> memref<2x128xi32, #tpu.memory_space<hbm>>
      %dma_wait3A_115 = arith.constant 0 : i32
      %dma_wait3A_116 = arith.constant 0 : i32
      %dma_wait3A_117 = tpu.memref_slice %arg4[%while3A_106, %dma_wait3A_115, %dma_wait3A_116] : memref<79x2x128xi32, #tpu.memory_space<vmem>> -> memref<1x2x128xi32, #tpu.memory_space<vmem>>
      %dma_wait3A_118 = tpu.memref_squeeze %dma_wait3A_117 : memref<1x2x128xi32, #tpu.memory_space<vmem>> -> memref<2x128xi32, #tpu.memory_space<vmem>>
      %dma_wait3A_119 = arith.constant 0 : i32
      %dma_wait3A_120 = tpu.memref_slice %arg2[%dma_wait3A_119, %mul3A_109] : memref<2x320000xi32, #tpu.memory_space<hbm>> -> memref<2x128xi32, #tpu.memory_space<hbm>>
      tpu.wait_dma2 semaphore(%arg8 : memref<!tpu.dma_semaphore, #tpu.memory_space<semaphore_mem>>) src(%dma_wait3A_120 : memref<2x128xi32, #tpu.memory_space<hbm>>) dst(%dma_wait3A_118 : memref<2x128xi32, #tpu.memory_space<vmem>>)
    }
    %barrier3A = arith.constant 0 : index
    tpu.barrier barrier_id(%barrier3A)
    %while3A_81 = arith.constant 0 : i32
    %while3A_82 = arith.constant 0 : i32
    %while3A_83 = arith.subi %add3A_4, %while3A_82 : i32
    %while3A_84 = arith.addi %while3A_82, %while3A_83 : i32
    %while3A_85 = arith.constant 1 : i32
    %while3A_86 = arith.divsi %while3A_83, %while3A_85 : i32
    %while3A_87 = arith.muli %while3A_86, %while3A_85 : i32
    %while3A_88 = arith.addi %while3A_82, %while3A_87 : i32
    %while3A_89 = arith.constant 1 : i32
    scf.for %while3A_106 = %while3A_82 to %while3A_88 step %while3A_89  : i32 {
      %dma_start3A = arith.constant 1 : i32
      %dma_start3A_107 = arith.constant 0 : i32
      %dma_start3A_108 = tpu.memref_slice %arg4[%while3A_106, %dma_start3A, %dma_start3A_107] : memref<79x2x128xi32, #tpu.memory_space<vmem>> -> memref<1x1x128xi32, #tpu.memory_space<vmem>>
      %dma_start3A_109 = tpu.memref_squeeze %dma_start3A_108 : memref<1x1x128xi32, #tpu.memory_space<vmem>> -> memref<128xi32, #tpu.memory_space<vmem>>
      %dma_start3A_110 = arith.constant 0 : i32
      %dma_start3A_111 = tpu.memref_slice %arg7[%dma_start3A_110] : memref<10240xf32, #tpu.memory_space<vmem_shared>> -> memref<10240xf32, #tpu.memory_space<vmem_shared>>
      tpu.enqueue_indirect_dma source(%arg5 : memref<128xf32, #tpu.memory_space<vmem>>) target(%dma_start3A_111 : memref<10240xf32, #tpu.memory_space<vmem_shared>>) offsets(%dma_start3A_109 : memref<128xi32, #tpu.memory_space<vmem>>) semaphore(%arg9 : memref<!tpu.dma_semaphore, #tpu.memory_space<semaphore_mem>>) {add = true}
    }
    %while3A_90 = arith.constant 1 : i32
    scf.for %while3A_106 = %while3A_88 to %while3A_84 step %while3A_90  : i32 {
      %dma_start3A = arith.constant 1 : i32
      %dma_start3A_107 = arith.constant 0 : i32
      %dma_start3A_108 = tpu.memref_slice %arg4[%while3A_106, %dma_start3A, %dma_start3A_107] : memref<79x2x128xi32, #tpu.memory_space<vmem>> -> memref<1x1x128xi32, #tpu.memory_space<vmem>>
      %dma_start3A_109 = tpu.memref_squeeze %dma_start3A_108 : memref<1x1x128xi32, #tpu.memory_space<vmem>> -> memref<128xi32, #tpu.memory_space<vmem>>
      %dma_start3A_110 = arith.constant 0 : i32
      %dma_start3A_111 = tpu.memref_slice %arg7[%dma_start3A_110] : memref<10240xf32, #tpu.memory_space<vmem_shared>> -> memref<10240xf32, #tpu.memory_space<vmem_shared>>
      tpu.enqueue_indirect_dma source(%arg5 : memref<128xf32, #tpu.memory_space<vmem>>) target(%dma_start3A_111 : memref<10240xf32, #tpu.memory_space<vmem_shared>>) offsets(%dma_start3A_109 : memref<128xi32, #tpu.memory_space<vmem>>) semaphore(%arg9 : memref<!tpu.dma_semaphore, #tpu.memory_space<semaphore_mem>>) {add = true}
    }
    %while3A_91 = arith.constant 0 : i32
    %while3A_92 = arith.constant 0 : i32
    %while3A_93 = arith.subi %add3A_4, %while3A_92 : i32
    %while3A_94 = arith.addi %while3A_92, %while3A_93 : i32
    %while3A_95 = arith.constant 1 : i32
    %while3A_96 = arith.divsi %while3A_93, %while3A_95 : i32
    %while3A_97 = arith.muli %while3A_96, %while3A_95 : i32
    %while3A_98 = arith.addi %while3A_92, %while3A_97 : i32
    %while3A_99 = arith.constant 1 : i32
    scf.for %while3A_106 = %while3A_92 to %while3A_98 step %while3A_99  : i32 {
      %dma_wait3A = arith.constant 1 : i32
      %dma_wait3A_107 = arith.constant 0 : i32
      %dma_wait3A_108 = tpu.memref_slice %arg4[%while3A_106, %dma_wait3A, %dma_wait3A_107] : memref<79x2x128xi32, #tpu.memory_space<vmem>> -> memref<1x1x128xi32, #tpu.memory_space<vmem>>
      %dma_wait3A_109 = tpu.memref_squeeze %dma_wait3A_108 : memref<1x1x128xi32, #tpu.memory_space<vmem>> -> memref<128xi32, #tpu.memory_space<vmem>>
      %dma_wait3A_110 = arith.constant 0 : i32
      %dma_wait3A_111 = tpu.memref_slice %arg7[%dma_wait3A_110] : memref<10240xf32, #tpu.memory_space<vmem_shared>> -> memref<10240xf32, #tpu.memory_space<vmem_shared>>
      tpu.wait_indirect_dma semaphore(%arg9 : memref<!tpu.dma_semaphore, #tpu.memory_space<semaphore_mem>>) src(%arg5 : memref<128xf32, #tpu.memory_space<vmem>>) dst(%dma_wait3A_111 : memref<10240xf32, #tpu.memory_space<vmem_shared>>)
    }
    %while3A_100 = arith.constant 1 : i32
    scf.for %while3A_106 = %while3A_98 to %while3A_94 step %while3A_100  : i32 {
      %dma_wait3A = arith.constant 1 : i32
      %dma_wait3A_107 = arith.constant 0 : i32
      %dma_wait3A_108 = tpu.memref_slice %arg4[%while3A_106, %dma_wait3A, %dma_wait3A_107] : memref<79x2x128xi32, #tpu.memory_space<vmem>> -> memref<1x1x128xi32, #tpu.memory_space<vmem>>
      %dma_wait3A_109 = tpu.memref_squeeze %dma_wait3A_108 : memref<1x1x128xi32, #tpu.memory_space<vmem>> -> memref<128xi32, #tpu.memory_space<vmem>>
      %dma_wait3A_110 = arith.constant 0 : i32
      %dma_wait3A_111 = tpu.memref_slice %arg7[%dma_wait3A_110] : memref<10240xf32, #tpu.memory_space<vmem_shared>> -> memref<10240xf32, #tpu.memory_space<vmem_shared>>
      tpu.wait_indirect_dma semaphore(%arg9 : memref<!tpu.dma_semaphore, #tpu.memory_space<semaphore_mem>>) src(%arg5 : memref<128xf32, #tpu.memory_space<vmem>>) dst(%dma_wait3A_111 : memref<10240xf32, #tpu.memory_space<vmem_shared>>)
    }
    %barrier3A_101 = arith.constant 0 : index
    tpu.barrier barrier_id(%barrier3A_101)
    %mul3A_102 = arith.constant 640 : i32
    %mul3A_103 = arith.muli %arg1, %mul3A_102 : i32
    %mul3A_104 = arith.constant 640 : i32
    %mul3A_105 = arith.muli %arg1, %mul3A_104 : i32
    "tpu.region"() ({
      %run_scoped3A = tpu.sem_alloc : memref<!tpu.dma_semaphore, #tpu.memory_space<semaphore_mem>>
      %dma_start3A = tpu.memref_slice %arg3[%arg0, %mul3A_105] : memref<2x10240xf32, #tpu.memory_space<hbm>> -> memref<1x640xf32, #tpu.memory_space<hbm>>
      %dma_start3A_106 = tpu.memref_squeeze %dma_start3A : memref<1x640xf32, #tpu.memory_space<hbm>> -> memref<640xf32, #tpu.memory_space<hbm>>
      %dma_start3A_107 = tpu.memref_slice %arg7[%mul3A_103] : memref<10240xf32, #tpu.memory_space<vmem_shared>> -> memref<640xf32, #tpu.memory_space<vmem_shared>>
      tpu.enqueue_dma source(%dma_start3A_107 : memref<640xf32, #tpu.memory_space<vmem_shared>>) target(%dma_start3A_106 : memref<640xf32, #tpu.memory_space<hbm>>) target_semaphore(%run_scoped3A : memref<!tpu.dma_semaphore, #tpu.memory_space<semaphore_mem>>)
      %dma_wait3A = tpu.memref_slice %arg3[%arg0, %mul3A_105] : memref<2x10240xf32, #tpu.memory_space<hbm>> -> memref<1x640xf32, #tpu.memory_space<hbm>>
      %dma_wait3A_108 = tpu.memref_squeeze %dma_wait3A : memref<1x640xf32, #tpu.memory_space<hbm>> -> memref<640xf32, #tpu.memory_space<hbm>>
      %dma_wait3A_109 = tpu.memref_slice %arg7[%mul3A_103] : memref<10240xf32, #tpu.memory_space<vmem_shared>> -> memref<640xf32, #tpu.memory_space<vmem_shared>>
      tpu.wait_dma2 semaphore(%run_scoped3A : memref<!tpu.dma_semaphore, #tpu.memory_space<semaphore_mem>>) src(%dma_wait3A_109 : memref<640xf32, #tpu.memory_space<vmem_shared>>) dst(%dma_wait3A_108 : memref<640xf32, #tpu.memory_space<hbm>>)
      tpu.yield
    }) : () -> ()
    return
  }
}

#map = affine_map<(d0, d1) -> (0, 0)>
#map1 = affine_map<(d0, d1) -> (0, 0, 0, 0)>
module attributes {stable_mosaic.version = 14 : i64} {
  func.func @agg_kernel(%arg0: i32, %arg1: i32, %arg2: memref<10000x128xf32, #tpu.memory_space<hbm>>, %arg3: memref<2x320000xi32, #tpu.memory_space<hbm>>, %arg4: memref<2x16x640x128xf32, #tpu.memory_space<hbm>>, %arg5: memref<4x2x128xi32, #tpu.memory_space<vmem>>, %arg6: memref<2x128x128xf32, #tpu.memory_space<vmem>>, %arg7: memref<10240x128xf32, #tpu.memory_space<vmem_shared>>, %arg8: memref<4x!tpu.dma_semaphore, #tpu.memory_space<semaphore_mem>>, %arg9: memref<2x!tpu.dma_semaphore, #tpu.memory_space<semaphore_mem>>, %arg10: memref<2x!tpu.dma_semaphore, #tpu.memory_space<semaphore_mem>>) attributes {dimension_semantics = [#tpu.dimension_semantics<core_parallel>, #tpu.dimension_semantics<subcore_parallel>], iteration_bounds = array<i64: 2, 16>, scalar_prefetch = 0 : i64, scratch_operands = 6 : i64, tpu.core_type = #tpu.core_type<sc_vector_subcore>, window_params = [{transform_indices = #map}, {transform_indices = #map}, {transform_indices = #map1}]} {
    %mul3A = arith.constant 2 : i32
    %mul3A_0 = arith.muli %arg1, %mul3A : i32
    %add3A = arith.addi %mul3A_0, %arg0 : i32
    %lt3A = arith.constant 4 : i32
    %lt3A_1 = arith.cmpi slt, %add3A, %lt3A : i32
    %jit3A = arith.constant 1 : i32
    %jit3A_2 = arith.constant 0 : i32
    %select_n3A = arith.select %lt3A_1, %jit3A, %jit3A_2 : i32
    %add3A_3 = arith.constant 78 : i32
    %add3A_4 = arith.addi %add3A_3, %select_n3A : i32
    %mul3A_5 = arith.constant 78 : i32
    %mul3A_6 = arith.muli %add3A, %mul3A_5 : i32
    %min3A = arith.constant 4 : i32
    %min3A_7 = arith.minsi %add3A, %min3A : i32
    %add3A_8 = arith.addi %mul3A_6, %min3A_7 : i32
    %scan3A = arith.constant 0 : i32
    %scan3A_9 = arith.constant 0 : i32
    %scan3A_10 = arith.constant 128 : i32
    %scan3A_11 = arith.addi %scan3A_9, %scan3A_10 : i32
    %scan3A_12 = arith.constant 1 : i32
    scf.for %scan3A_112 = %scan3A_9 to %scan3A_11 step %scan3A_12  : i32 {
      %broadcast_in_dim3A = arith.constant 0.000000e+00 : f32
      %broadcast_in_dim3A_113 = vector.broadcast %broadcast_in_dim3A : f32 to vector<16xf32>
      %swap3A = arith.constant 0 : i32
      %swap3A_114 = arith.index_cast %swap3A : i32 to index
      %swap3A_115 = arith.index_cast %scan3A_112 : i32 to index
      %swap3A_116 = arith.constant 0 : index
      %swap3A_117 = tpu.vector_load %arg6[%swap3A_114, %swap3A_115, %swap3A_116] {strides = array<i32>} : memref<2x128x128xf32, #tpu.memory_space<vmem>>, vector<1x1x16xf32>,
      %swap3A_118 = vector.shape_cast %swap3A_117 : vector<1x1x16xf32> to vector<16xf32>
      %swap3A_119 = vector.shape_cast %broadcast_in_dim3A_113 : vector<16xf32> to vector<1x1x16xf32>
      tpu.vector_store %arg6[%swap3A_114, %swap3A_115, %swap3A_116], %swap3A_119 {strides = array<i32>} : memref<2x128x128xf32, #tpu.memory_space<vmem>>, vector<1x1x16xf32>,
      %broadcast_in_dim3A_120 = arith.constant 0.000000e+00 : f32
      %broadcast_in_dim3A_121 = vector.broadcast %broadcast_in_dim3A_120 : f32 to vector<16xf32>
      %swap3A_122 = arith.constant 0 : i32
      %swap3A_123 = arith.index_cast %swap3A_122 : i32 to index
      %swap3A_124 = arith.index_cast %scan3A_112 : i32 to index
      %swap3A_125 = arith.constant 16 : index
      %swap3A_126 = tpu.vector_load %arg6[%swap3A_123, %swap3A_124, %swap3A_125] {strides = array<i32>} : memref<2x128x128xf32, #tpu.memory_space<vmem>>, vector<1x1x16xf32>,
      %swap3A_127 = vector.shape_cast %swap3A_126 : vector<1x1x16xf32> to vector<16xf32>
      %swap3A_128 = vector.shape_cast %broadcast_in_dim3A_121 : vector<16xf32> to vector<1x1x16xf32>
      tpu.vector_store %arg6[%swap3A_123, %swap3A_124, %swap3A_125], %swap3A_128 {strides = array<i32>} : memref<2x128x128xf32, #tpu.memory_space<vmem>>, vector<1x1x16xf32>,
      %broadcast_in_dim3A_129 = arith.constant 0.000000e+00 : f32
      %broadcast_in_dim3A_130 = vector.broadcast %broadcast_in_dim3A_129 : f32 to vector<16xf32>
      %swap3A_131 = arith.constant 0 : i32
      %swap3A_132 = arith.index_cast %swap3A_131 : i32 to index
      %swap3A_133 = arith.index_cast %scan3A_112 : i32 to index
      %swap3A_134 = arith.constant 32 : index
      %swap3A_135 = tpu.vector_load %arg6[%swap3A_132, %swap3A_133, %swap3A_134] {strides = array<i32>} : memref<2x128x128xf32, #tpu.memory_space<vmem>>, vector<1x1x16xf32>,
      %swap3A_136 = vector.shape_cast %swap3A_135 : vector<1x1x16xf32> to vector<16xf32>
      %swap3A_137 = vector.shape_cast %broadcast_in_dim3A_130 : vector<16xf32> to vector<1x1x16xf32>
      tpu.vector_store %arg6[%swap3A_132, %swap3A_133, %swap3A_134], %swap3A_137 {strides = array<i32>} : memref<2x128x128xf32, #tpu.memory_space<vmem>>, vector<1x1x16xf32>,
      %broadcast_in_dim3A_138 = arith.constant 0.000000e+00 : f32
      %broadcast_in_dim3A_139 = vector.broadcast %broadcast_in_dim3A_138 : f32 to vector<16xf32>
      %swap3A_140 = arith.constant 0 : i32
      %swap3A_141 = arith.index_cast %swap3A_140 : i32 to index
      %swap3A_142 = arith.index_cast %scan3A_112 : i32 to index
      %swap3A_143 = arith.constant 48 : index
      %swap3A_144 = tpu.vector_load %arg6[%swap3A_141, %swap3A_142, %swap3A_143] {strides = array<i32>} : memref<2x128x128xf32, #tpu.memory_space<vmem>>, vector<1x1x16xf32>,
      %swap3A_145 = vector.shape_cast %swap3A_144 : vector<1x1x16xf32> to vector<16xf32>
      %swap3A_146 = vector.shape_cast %broadcast_in_dim3A_139 : vector<16xf32> to vector<1x1x16xf32>
      tpu.vector_store %arg6[%swap3A_141, %swap3A_142, %swap3A_143], %swap3A_146 {strides = array<i32>} : memref<2x128x128xf32, #tpu.memory_space<vmem>>, vector<1x1x16xf32>,
      %broadcast_in_dim3A_147 = arith.constant 0.000000e+00 : f32
      %broadcast_in_dim3A_148 = vector.broadcast %broadcast_in_dim3A_147 : f32 to vector<16xf32>
      %swap3A_149 = arith.constant 0 : i32
      %swap3A_150 = arith.index_cast %swap3A_149 : i32 to index
      %swap3A_151 = arith.index_cast %scan3A_112 : i32 to index
      %swap3A_152 = arith.constant 64 : index
      %swap3A_153 = tpu.vector_load %arg6[%swap3A_150, %swap3A_151, %swap3A_152] {strides = array<i32>} : memref<2x128x128xf32, #tpu.memory_space<vmem>>, vector<1x1x16xf32>,
      %swap3A_154 = vector.shape_cast %swap3A_153 : vector<1x1x16xf32> to vector<16xf32>
      %swap3A_155 = vector.shape_cast %broadcast_in_dim3A_148 : vector<16xf32> to vector<1x1x16xf32>
      tpu.vector_store %arg6[%swap3A_150, %swap3A_151, %swap3A_152], %swap3A_155 {strides = array<i32>} : memref<2x128x128xf32, #tpu.memory_space<vmem>>, vector<1x1x16xf32>,
      %broadcast_in_dim3A_156 = arith.constant 0.000000e+00 : f32
      %broadcast_in_dim3A_157 = vector.broadcast %broadcast_in_dim3A_156 : f32 to vector<16xf32>
      %swap3A_158 = arith.constant 0 : i32
      %swap3A_159 = arith.index_cast %swap3A_158 : i32 to index
      %swap3A_160 = arith.index_cast %scan3A_112 : i32 to index
      %swap3A_161 = arith.constant 80 : index
      %swap3A_162 = tpu.vector_load %arg6[%swap3A_159, %swap3A_160, %swap3A_161] {strides = array<i32>} : memref<2x128x128xf32, #tpu.memory_space<vmem>>, vector<1x1x16xf32>,
      %swap3A_163 = vector.shape_cast %swap3A_162 : vector<1x1x16xf32> to vector<16xf32>
      %swap3A_164 = vector.shape_cast %broadcast_in_dim3A_157 : vector<16xf32> to vector<1x1x16xf32>
      tpu.vector_store %arg6[%swap3A_159, %swap3A_160, %swap3A_161], %swap3A_164 {strides = array<i32>} : memref<2x128x128xf32, #tpu.memory_space<vmem>>, vector<1x1x16xf32>,
      %broadcast_in_dim3A_165 = arith.constant 0.000000e+00 : f32
      %broadcast_in_dim3A_166 = vector.broadcast %broadcast_in_dim3A_165 : f32 to vector<16xf32>
      %swap3A_167 = arith.constant 0 : i32
      %swap3A_168 = arith.index_cast %swap3A_167 : i32 to index
      %swap3A_169 = arith.index_cast %scan3A_112 : i32 to index
      %swap3A_170 = arith.constant 96 : index
      %swap3A_171 = tpu.vector_load %arg6[%swap3A_168, %swap3A_169, %swap3A_170] {strides = array<i32>} : memref<2x128x128xf32, #tpu.memory_space<vmem>>, vector<1x1x16xf32>,
      %swap3A_172 = vector.shape_cast %swap3A_171 : vector<1x1x16xf32> to vector<16xf32>
      %swap3A_173 = vector.shape_cast %broadcast_in_dim3A_166 : vector<16xf32> to vector<1x1x16xf32>
      tpu.vector_store %arg6[%swap3A_168, %swap3A_169, %swap3A_170], %swap3A_173 {strides = array<i32>} : memref<2x128x128xf32, #tpu.memory_space<vmem>>, vector<1x1x16xf32>,
      %broadcast_in_dim3A_174 = arith.constant 0.000000e+00 : f32
      %broadcast_in_dim3A_175 = vector.broadcast %broadcast_in_dim3A_174 : f32 to vector<16xf32>
      %swap3A_176 = arith.constant 0 : i32
      %swap3A_177 = arith.index_cast %swap3A_176 : i32 to index
      %swap3A_178 = arith.index_cast %scan3A_112 : i32 to index
      %swap3A_179 = arith.constant 112 : index
      %swap3A_180 = tpu.vector_load %arg6[%swap3A_177, %swap3A_178, %swap3A_179] {strides = array<i32>} : memref<2x128x128xf32, #tpu.memory_space<vmem>>, vector<1x1x16xf32>,
      %swap3A_181 = vector.shape_cast %swap3A_180 : vector<1x1x16xf32> to vector<16xf32>
      %swap3A_182 = vector.shape_cast %broadcast_in_dim3A_175 : vector<16xf32> to vector<1x1x16xf32>
      tpu.vector_store %arg6[%swap3A_177, %swap3A_178, %swap3A_179], %swap3A_182 {strides = array<i32>} : memref<2x128x128xf32, #tpu.memory_space<vmem>>, vector<1x1x16xf32>,
    }
    %scan3A_13 = arith.constant 128 : i32
    %scan3A_14 = arith.constant 0 : i32
    %scan3A_15 = arith.constant 0 : i32
    %scan3A_16 = arith.constant 5 : i32
    %scan3A_17 = arith.addi %scan3A_15, %scan3A_16 : i32
    %scan3A_18 = arith.constant 1 : i32
    scf.for %scan3A_112 = %scan3A_15 to %scan3A_17 step %scan3A_18  : i32 {
      %mul3A_113 = arith.constant 640 : i32
      %mul3A_114 = arith.muli %arg1, %mul3A_113 : i32
      %mul3A_115 = arith.constant 128 : i32
      %mul3A_116 = arith.muli %scan3A_112, %mul3A_115 : i32
      %add3A_117 = arith.addi %mul3A_114, %mul3A_116 : i32
      %run_scoped3A = arith.constant 0 : i32
      "tpu.region"() ({
        %run_scoped3A_118 = tpu.sem_alloc : memref<!tpu.dma_semaphore, #tpu.memory_space<semaphore_mem>>
        %dma_start3A_119 = arith.constant 0 : i32
        %dma_start3A_120 = arith.constant 0 : i32
        %dma_start3A_121 = tpu.memref_slice %arg6[%run_scoped3A, %dma_start3A_119, %dma_start3A_120] : memref<2x128x128xf32, #tpu.memory_space<vmem>> -> memref<1x128x128xf32, #tpu.memory_space<vmem>>
        %dma_start3A_122 = tpu.memref_squeeze %dma_start3A_121 : memref<1x128x128xf32, #tpu.memory_space<vmem>> -> memref<128x128xf32, #tpu.memory_space<vmem>>
        %dma_start3A_123 = arith.constant 0 : i32
        %dma_start3A_124 = tpu.memref_slice %arg7[%add3A_117, %dma_start3A_123] : memref<10240x128xf32, #tpu.memory_space<vmem_shared>> -> memref<128x128xf32, #tpu.memory_space<vmem_shared>>
        %dma_start3A_125 = arith.constant 0 : i32
        %dma_start3A_126 = tpu.memref_slice %arg7[%add3A_117, %dma_start3A_125] : memref<10240x128xf32, #tpu.memory_space<vmem_shared>> -> memref<128x128xf32, #tpu.memory_space<vmem_shared>>
        %dma_start3A_127 = arith.constant 0 : i32
        %dma_start3A_128 = arith.constant 0 : i32
        %dma_start3A_129 = tpu.memref_slice %arg6[%run_scoped3A, %dma_start3A_127, %dma_start3A_128] : memref<2x128x128xf32, #tpu.memory_space<vmem>> -> memref<1x128x128xf32, #tpu.memory_space<vmem>>
        %dma_start3A_130 = tpu.memref_squeeze %dma_start3A_129 : memref<1x128x128xf32, #tpu.memory_space<vmem>> -> memref<128x128xf32, #tpu.memory_space<vmem>>
        tpu.enqueue_dma source(%dma_start3A_130 : memref<128x128xf32, #tpu.memory_space<vmem>>) target(%dma_start3A_126 : memref<128x128xf32, #tpu.memory_space<vmem_shared>>) target_semaphore(%run_scoped3A_118 : memref<!tpu.dma_semaphore, #tpu.memory_space<semaphore_mem>>)
        %dma_wait3A_131 = arith.constant 0 : i32
        %dma_wait3A_132 = arith.constant 0 : i32
        %dma_wait3A_133 = tpu.memref_slice %arg6[%run_scoped3A, %dma_wait3A_131, %dma_wait3A_132] : memref<2x128x128xf32, #tpu.memory_space<vmem>> -> memref<1x128x128xf32, #tpu.memory_space<vmem>>
        %dma_wait3A_134 = tpu.memref_squeeze %dma_wait3A_133 : memref<1x128x128xf32, #tpu.memory_space<vmem>> -> memref<128x128xf32, #tpu.memory_space<vmem>>
        %dma_wait3A_135 = arith.constant 0 : i32
        %dma_wait3A_136 = tpu.memref_slice %arg7[%add3A_117, %dma_wait3A_135] : memref<10240x128xf32, #tpu.memory_space<vmem_shared>> -> memref<128x128xf32, #tpu.memory_space<vmem_shared>>
        %dma_wait3A_137 = arith.constant 0 : i32
        %dma_wait3A_138 = tpu.memref_slice %arg7[%add3A_117, %dma_wait3A_137] : memref<10240x128xf32, #tpu.memory_space<vmem_shared>> -> memref<128x128xf32, #tpu.memory_space<vmem_shared>>
        %dma_wait3A_139 = arith.constant 0 : i32
        %dma_wait3A_140 = arith.constant 0 : i32
        %dma_wait3A_141 = tpu.memref_slice %arg6[%run_scoped3A, %dma_wait3A_139, %dma_wait3A_140] : memref<2x128x128xf32, #tpu.memory_space<vmem>> -> memref<1x128x128xf32, #tpu.memory_space<vmem>>
        %dma_wait3A_142 = tpu.memref_squeeze %dma_wait3A_141 : memref<1x128x128xf32, #tpu.memory_space<vmem>> -> memref<128x128xf32, #tpu.memory_space<vmem>>
        tpu.wait_dma2 semaphore(%run_scoped3A_118 : memref<!tpu.dma_semaphore, #tpu.memory_space<semaphore_mem>>) src(%dma_wait3A_142 : memref<128x128xf32, #tpu.memory_space<vmem>>) dst(%dma_wait3A_138 : memref<128x128xf32, #tpu.memory_space<vmem_shared>>)
        tpu.yield
      }) : () -> ()
    }
    %scan3A_19 = arith.constant 5 : i32
    %barrier3A = arith.constant 0 : index
    tpu.barrier barrier_id(%barrier3A)
    %add3A_20 = arith.constant 0 : i32
    %add3A_21 = arith.addi %add3A_8, %add3A_20 : i32
    %mul3A_22 = arith.constant 128 : i32
    %mul3A_23 = arith.muli %add3A_21, %mul3A_22 : i32
    %dma_start3A = arith.constant 0 : i32
    %dma_start3A_24 = arith.constant 0 : i32
    %dma_start3A_25 = arith.constant 0 : i32
    %dma_start3A_26 = arith.constant 0 : i32
    %dma_start3A_27 = tpu.memref_slice %arg5[%dma_start3A, %dma_start3A_25, %dma_start3A_26] : memref<4x2x128xi32, #tpu.memory_space<vmem>> -> memref<1x2x128xi32, #tpu.memory_space<vmem>>
    %dma_start3A_28 = tpu.memref_squeeze %dma_start3A_27 : memref<1x2x128xi32, #tpu.memory_space<vmem>> -> memref<2x128xi32, #tpu.memory_space<vmem>>
    %dma_start3A_29 = arith.constant 0 : i32
    %dma_start3A_30 = tpu.memref_slice %arg3[%dma_start3A_29, %mul3A_23] : memref<2x320000xi32, #tpu.memory_space<hbm>> -> memref<2x128xi32, #tpu.memory_space<hbm>>
    %dma_start3A_31 = tpu.memref_slice %arg8[%dma_start3A_24] : memref<4x!tpu.dma_semaphore, #tpu.memory_space<semaphore_mem>> -> memref<1x!tpu.dma_semaphore, #tpu.memory_space<semaphore_mem>>
    %dma_start3A_32 = tpu.memref_squeeze %dma_start3A_31 : memref<1x!tpu.dma_semaphore, #tpu.memory_space<semaphore_mem>> -> memref<!tpu.dma_semaphore, #tpu.memory_space<semaphore_mem>>
    %dma_start3A_33 = arith.constant 0 : i32
    %dma_start3A_34 = arith.constant 0 : i32
    %dma_start3A_35 = tpu.memref_slice %arg5[%dma_start3A, %dma_start3A_33, %dma_start3A_34] : memref<4x2x128xi32, #tpu.memory_space<vmem>> -> memref<1x2x128xi32, #tpu.memory_space<vmem>>
    %dma_start3A_36 = tpu.memref_squeeze %dma_start3A_35 : memref<1x2x128xi32, #tpu.memory_space<vmem>> -> memref<2x128xi32, #tpu.memory_space<vmem>>
    %dma_start3A_37 = arith.constant 0 : i32
    %dma_start3A_38 = tpu.memref_slice %arg3[%dma_start3A_37, %mul3A_23] : memref<2x320000xi32, #tpu.memory_space<hbm>> -> memref<2x128xi32, #tpu.memory_space<hbm>>
    tpu.enqueue_dma source(%dma_start3A_38 : memref<2x128xi32, #tpu.memory_space<hbm>>) target(%dma_start3A_36 : memref<2x128xi32, #tpu.memory_space<vmem>>) target_semaphore(%dma_start3A_32 : memref<!tpu.dma_semaphore, #tpu.memory_space<semaphore_mem>>)
    %add3A_39 = arith.constant 0 : i32
    %add3A_40 = arith.addi %add3A_8, %add3A_39 : i32
    %mul3A_41 = arith.constant 128 : i32
    %mul3A_42 = arith.muli %add3A_40, %mul3A_41 : i32
    %dma_wait3A = arith.constant 0 : i32
    %dma_wait3A_43 = arith.constant 0 : i32
    %dma_wait3A_44 = arith.constant 0 : i32
    %dma_wait3A_45 = arith.constant 0 : i32
    %dma_wait3A_46 = tpu.memref_slice %arg5[%dma_wait3A, %dma_wait3A_44, %dma_wait3A_45] : memref<4x2x128xi32, #tpu.memory_space<vmem>> -> memref<1x2x128xi32, #tpu.memory_space<vmem>>
    %dma_wait3A_47 = tpu.memref_squeeze %dma_wait3A_46 : memref<1x2x128xi32, #tpu.memory_space<vmem>> -> memref<2x128xi32, #tpu.memory_space<vmem>>
    %dma_wait3A_48 = arith.constant 0 : i32
    %dma_wait3A_49 = tpu.memref_slice %arg3[%dma_wait3A_48, %mul3A_42] : memref<2x320000xi32, #tpu.memory_space<hbm>> -> memref<2x128xi32, #tpu.memory_space<hbm>>
    %dma_wait3A_50 = tpu.memref_slice %arg8[%dma_wait3A_43] : memref<4x!tpu.dma_semaphore, #tpu.memory_space<semaphore_mem>> -> memref<1x!tpu.dma_semaphore, #tpu.memory_space<semaphore_mem>>
    %dma_wait3A_51 = tpu.memref_squeeze %dma_wait3A_50 : memref<1x!tpu.dma_semaphore, #tpu.memory_space<semaphore_mem>> -> memref<!tpu.dma_semaphore, #tpu.memory_space<semaphore_mem>>
    %dma_wait3A_52 = arith.constant 0 : i32
    %dma_wait3A_53 = arith.constant 0 : i32
    %dma_wait3A_54 = tpu.memref_slice %arg5[%dma_wait3A, %dma_wait3A_52, %dma_wait3A_53] : memref<4x2x128xi32, #tpu.memory_space<vmem>> -> memref<1x2x128xi32, #tpu.memory_space<vmem>>
    %dma_wait3A_55 = tpu.memref_squeeze %dma_wait3A_54 : memref<1x2x128xi32, #tpu.memory_space<vmem>> -> memref<2x128xi32, #tpu.memory_space<vmem>>
    %dma_wait3A_56 = arith.constant 0 : i32
    %dma_wait3A_57 = tpu.memref_slice %arg3[%dma_wait3A_56, %mul3A_42] : memref<2x320000xi32, #tpu.memory_space<hbm>> -> memref<2x128xi32, #tpu.memory_space<hbm>>
    tpu.wait_dma2 semaphore(%dma_wait3A_51 : memref<!tpu.dma_semaphore, #tpu.memory_space<semaphore_mem>>) src(%dma_wait3A_57 : memref<2x128xi32, #tpu.memory_space<hbm>>) dst(%dma_wait3A_55 : memref<2x128xi32, #tpu.memory_space<vmem>>)
    %dma_start3A_58 = arith.constant 0 : i32
    %dma_start3A_59 = arith.constant 0 : i32
    %dma_start3A_60 = arith.constant 0 : i32
    %dma_start3A_61 = arith.constant 0 : i32
    %dma_start3A_62 = arith.constant 0 : i32
    %dma_start3A_63 = arith.constant 0 : i32
    %dma_start3A_64 = tpu.memref_slice %arg6[%dma_start3A_60, %dma_start3A_62, %dma_start3A_63] : memref<2x128x128xf32, #tpu.memory_space<vmem>> -> memref<1x128x128xf32, #tpu.memory_space<vmem>>
    %dma_start3A_65 = tpu.memref_squeeze %dma_start3A_64 : memref<1x128x128xf32, #tpu.memory_space<vmem>> -> memref<128x128xf32, #tpu.memory_space<vmem>>
    %dma_start3A_66 = arith.constant 0 : i32
    %dma_start3A_67 = tpu.memref_slice %arg5[%dma_start3A_58, %dma_start3A_59, %dma_start3A_66] : memref<4x2x128xi32, #tpu.memory_space<vmem>> -> memref<1x1x128xi32, #tpu.memory_space<vmem>>
    %dma_start3A_68 = tpu.memref_squeeze %dma_start3A_67 : memref<1x1x128xi32, #tpu.memory_space<vmem>> -> memref<128xi32, #tpu.memory_space<vmem>>
    %dma_start3A_69 = arith.constant 0 : i32
    %dma_start3A_70 = arith.constant 0 : i32
    %dma_start3A_71 = tpu.memref_slice %arg2[%dma_start3A_69, %dma_start3A_70] : memref<10000x128xf32, #tpu.memory_space<hbm>> -> memref<10000x128xf32, #tpu.memory_space<hbm>>
    %dma_start3A_72 = tpu.memref_slice %arg9[%dma_start3A_61] : memref<2x!tpu.dma_semaphore, #tpu.memory_space<semaphore_mem>> -> memref<1x!tpu.dma_semaphore, #tpu.memory_space<semaphore_mem>>
    %dma_start3A_73 = tpu.memref_squeeze %dma_start3A_72 : memref<1x!tpu.dma_semaphore, #tpu.memory_space<semaphore_mem>> -> memref<!tpu.dma_semaphore, #tpu.memory_space<semaphore_mem>>
    tpu.enqueue_indirect_dma source(%dma_start3A_71 : memref<10000x128xf32, #tpu.memory_space<hbm>>) target(%dma_start3A_65 : memref<128x128xf32, #tpu.memory_space<vmem>>) offsets(%dma_start3A_68 : memref<128xi32, #tpu.memory_space<vmem>>) semaphore(%dma_start3A_73 : memref<!tpu.dma_semaphore, #tpu.memory_space<semaphore_mem>>)
    %add3A_74 = arith.constant 1 : i32
    %add3A_75 = arith.addi %add3A_8, %add3A_74 : i32
    %mul3A_76 = arith.constant 128 : i32
    %mul3A_77 = arith.muli %add3A_75, %mul3A_76 : i32
    %dma_start3A_78 = arith.constant 1 : i32
    %dma_start3A_79 = arith.constant 1 : i32
    %dma_start3A_80 = arith.constant 0 : i32
    %dma_start3A_81 = arith.constant 0 : i32
    %dma_start3A_82 = tpu.memref_slice %arg5[%dma_start3A_78, %dma_start3A_80, %dma_start3A_81] : memref<4x2x128xi32, #tpu.memory_space<vmem>> -> memref<1x2x128xi32, #tpu.memory_space<vmem>>
    %dma_start3A_83 = tpu.memref_squeeze %dma_start3A_82 : memref<1x2x128xi32, #tpu.memory_space<vmem>> -> memref<2x128xi32, #tpu.memory_space<vmem>>
    %dma_start3A_84 = arith.constant 0 : i32
    %dma_start3A_85 = tpu.memref_slice %arg3[%dma_start3A_84, %mul3A_77] : memref<2x320000xi32, #tpu.memory_space<hbm>> -> memref<2x128xi32, #tpu.memory_space<hbm>>
    %dma_start3A_86 = tpu.memref_slice %arg8[%dma_start3A_79] : memref<4x!tpu.dma_semaphore, #tpu.memory_space<semaphore_mem>> -> memref<1x!tpu.dma_semaphore, #tpu.memory_space<semaphore_mem>>
    %dma_start3A_87 = tpu.memref_squeeze %dma_start3A_86 : memref<1x!tpu.dma_semaphore, #tpu.memory_space<semaphore_mem>> -> memref<!tpu.dma_semaphore, #tpu.memory_space<semaphore_mem>>
    %dma_start3A_88 = arith.constant 0 : i32
    %dma_start3A_89 = arith.constant 0 : i32
    %dma_start3A_90 = tpu.memref_slice %arg5[%dma_start3A_78, %dma_start3A_88, %dma_start3A_89] : memref<4x2x128xi32, #tpu.memory_space<vmem>> -> memref<1x2x128xi32, #tpu.memory_space<vmem>>
    %dma_start3A_91 = tpu.memref_squeeze %dma_start3A_90 : memref<1x2x128xi32, #tpu.memory_space<vmem>> -> memref<2x128xi32, #tpu.memory_space<vmem>>
    %dma_start3A_92 = arith.constant 0 : i32
    %dma_start3A_93 = tpu.memref_slice %arg3[%dma_start3A_92, %mul3A_77] : memref<2x320000xi32, #tpu.memory_space<hbm>> -> memref<2x128xi32, #tpu.memory_space<hbm>>
    tpu.enqueue_dma source(%dma_start3A_93 : memref<2x128xi32, #tpu.memory_space<hbm>>) target(%dma_start3A_91 : memref<2x128xi32, #tpu.memory_space<vmem>>) target_semaphore(%dma_start3A_87 : memref<!tpu.dma_semaphore, #tpu.memory_space<semaphore_mem>>)
    %while3A = arith.constant 0 : i32
    %while3A_94 = arith.constant 0 : i32
    %while3A_95 = arith.subi %add3A_4, %while3A_94 : i32
    %while3A_96 = arith.addi %while3A_94, %while3A_95 : i32
    %while3A_97 = arith.constant 1 : i32
    %while3A_98 = arith.divsi %while3A_95, %while3A_97 : i32
    %while3A_99 = arith.muli %while3A_98, %while3A_97 : i32
    %while3A_100 = arith.addi %while3A_94, %while3A_99 : i32
    %while3A_101 = arith.constant 1 : i32
    scf.for %while3A_112 = %while3A_94 to %while3A_100 step %while3A_101  : i32 {
      %rem3A = arith.constant 2 : i32
      %rem3A_113 = arith.remsi %while3A_112, %rem3A : i32
      %add3A_114 = arith.constant 1 : i32
      %add3A_115 = arith.addi %while3A_112, %add3A_114 : i32
      %rem3A_116 = arith.constant 2 : i32
      %rem3A_117 = arith.remsi %add3A_115, %rem3A_116 : i32
      %rem3A_118 = arith.constant 4 : i32
      %rem3A_119 = arith.remsi %while3A_112, %rem3A_118 : i32
      %add3A_120 = arith.constant 1 : i32
      %add3A_121 = arith.addi %while3A_112, %add3A_120 : i32
      %rem3A_122 = arith.constant 4 : i32
      %rem3A_123 = arith.remsi %add3A_121, %rem3A_122 : i32
      %add3A_124 = arith.constant 2 : i32
      %add3A_125 = arith.addi %while3A_112, %add3A_124 : i32
      %rem3A_126 = arith.constant 4 : i32
      %rem3A_127 = arith.remsi %add3A_125, %rem3A_126 : i32
      %add3A_128 = arith.constant 1 : i32
      %add3A_129 = arith.addi %while3A_112, %add3A_128 : i32
      %lt3A_130 = arith.cmpi slt, %add3A_129, %add3A_4 : i32
      %convert_element_type3A = arith.extui %lt3A_130 : i1 to i32
      %cond3A = arith.constant 0 : i32
      %cond3A_131 = arith.cmpi ne, %convert_element_type3A, %cond3A : i32
      scf.if %cond3A_131 {
        %add3A_164 = arith.constant 1 : i32
        %add3A_165 = arith.addi %while3A_112, %add3A_164 : i32
        %add3A_166 = arith.addi %add3A_8, %add3A_165 : i32
        %mul3A_167 = arith.constant 128 : i32
        %mul3A_168 = arith.muli %add3A_166, %mul3A_167 : i32
        %dma_wait3A_169 = arith.constant 0 : i32
        %dma_wait3A_170 = arith.constant 0 : i32
        %dma_wait3A_171 = tpu.memref_slice %arg5[%rem3A_123, %dma_wait3A_169, %dma_wait3A_170] : memref<4x2x128xi32, #tpu.memory_space<vmem>> -> memref<1x2x128xi32, #tpu.memory_space<vmem>>
        %dma_wait3A_172 = tpu.memref_squeeze %dma_wait3A_171 : memref<1x2x128xi32, #tpu.memory_space<vmem>> -> memref<2x128xi32, #tpu.memory_space<vmem>>
        %dma_wait3A_173 = arith.constant 0 : i32
        %dma_wait3A_174 = tpu.memref_slice %arg3[%dma_wait3A_173, %mul3A_168] : memref<2x320000xi32, #tpu.memory_space<hbm>> -> memref<2x128xi32, #tpu.memory_space<hbm>>
        %dma_wait3A_175 = tpu.memref_slice %arg8[%rem3A_123] : memref<4x!tpu.dma_semaphore, #tpu.memory_space<semaphore_mem>> -> memref<1x!tpu.dma_semaphore, #tpu.memory_space<semaphore_mem>>
        %dma_wait3A_176 = tpu.memref_squeeze %dma_wait3A_175 : memref<1x!tpu.dma_semaphore, #tpu.memory_space<semaphore_mem>> -> memref<!tpu.dma_semaphore, #tpu.memory_space<semaphore_mem>>
        %dma_wait3A_177 = arith.constant 0 : i32
        %dma_wait3A_178 = arith.constant 0 : i32
        %dma_wait3A_179 = tpu.memref_slice %arg5[%rem3A_123, %dma_wait3A_177, %dma_wait3A_178] : memref<4x2x128xi32, #tpu.memory_space<vmem>> -> memref<1x2x128xi32, #tpu.memory_space<vmem>>
        %dma_wait3A_180 = tpu.memref_squeeze %dma_wait3A_179 : memref<1x2x128xi32, #tpu.memory_space<vmem>> -> memref<2x128xi32, #tpu.memory_space<vmem>>
        %dma_wait3A_181 = arith.constant 0 : i32
        %dma_wait3A_182 = tpu.memref_slice %arg3[%dma_wait3A_181, %mul3A_168] : memref<2x320000xi32, #tpu.memory_space<hbm>> -> memref<2x128xi32, #tpu.memory_space<hbm>>
        tpu.wait_dma2 semaphore(%dma_wait3A_176 : memref<!tpu.dma_semaphore, #tpu.memory_space<semaphore_mem>>) src(%dma_wait3A_182 : memref<2x128xi32, #tpu.memory_space<hbm>>) dst(%dma_wait3A_180 : memref<2x128xi32, #tpu.memory_space<vmem>>)
        %ge3A = arith.constant 1 : i32
        %ge3A_183 = arith.cmpi sge, %while3A_112, %ge3A : i32
        %convert_element_type3A_184 = arith.extui %ge3A_183 : i1 to i32
        %cond3A_185 = arith.constant 0 : i32
        %cond3A_186 = arith.cmpi ne, %convert_element_type3A_184, %cond3A_185 : i32
        scf.if %cond3A_186 {
          %dma_wait3A_200 = arith.constant 1 : i32
          %dma_wait3A_201 = arith.constant 0 : i32
          %dma_wait3A_202 = arith.constant 0 : i32
          %dma_wait3A_203 = tpu.memref_slice %arg6[%rem3A_117, %dma_wait3A_201, %dma_wait3A_202] : memref<2x128x128xf32, #tpu.memory_space<vmem>> -> memref<1x128x128xf32, #tpu.memory_space<vmem>>
          %dma_wait3A_204 = tpu.memref_squeeze %dma_wait3A_203 : memref<1x128x128xf32, #tpu.memory_space<vmem>> -> memref<128x128xf32, #tpu.memory_space<vmem>>
          %dma_wait3A_205 = arith.constant 0 : i32
          %dma_wait3A_206 = tpu.memref_slice %arg5[%rem3A_123, %dma_wait3A_200, %dma_wait3A_205] : memref<4x2x128xi32, #tpu.memory_space<vmem>> -> memref<1x1x128xi32, #tpu.memory_space<vmem>>
          %dma_wait3A_207 = tpu.memref_squeeze %dma_wait3A_206 : memref<1x1x128xi32, #tpu.memory_space<vmem>> -> memref<128xi32, #tpu.memory_space<vmem>>
          %dma_wait3A_208 = arith.constant 0 : i32
          %dma_wait3A_209 = arith.constant 0 : i32
          %dma_wait3A_210 = tpu.memref_slice %arg7[%dma_wait3A_208, %dma_wait3A_209] : memref<10240x128xf32, #tpu.memory_space<vmem_shared>> -> memref<10240x128xf32, #tpu.memory_space<vmem_shared>>
          %dma_wait3A_211 = tpu.memref_slice %arg10[%rem3A_117] : memref<2x!tpu.dma_semaphore, #tpu.memory_space<semaphore_mem>> -> memref<1x!tpu.dma_semaphore, #tpu.memory_space<semaphore_mem>>
          %dma_wait3A_212 = tpu.memref_squeeze %dma_wait3A_211 : memref<1x!tpu.dma_semaphore, #tpu.memory_space<semaphore_mem>> -> memref<!tpu.dma_semaphore, #tpu.memory_space<semaphore_mem>>
          tpu.wait_indirect_dma semaphore(%dma_wait3A_212 : memref<!tpu.dma_semaphore, #tpu.memory_space<semaphore_mem>>) src(%dma_wait3A_204 : memref<128x128xf32, #tpu.memory_space<vmem>>) dst(%dma_wait3A_210 : memref<10240x128xf32, #tpu.memory_space<vmem_shared>>)
        } else {
        }
        %dma_start3A_187 = arith.constant 0 : i32
        %dma_start3A_188 = arith.constant 0 : i32
        %dma_start3A_189 = arith.constant 0 : i32
        %dma_start3A_190 = tpu.memref_slice %arg6[%rem3A_117, %dma_start3A_188, %dma_start3A_189] : memref<2x128x128xf32, #tpu.memory_space<vmem>> -> memref<1x128x128xf32, #tpu.memory_space<vmem>>
        %dma_start3A_191 = tpu.memref_squeeze %dma_start3A_190 : memref<1x128x128xf32, #tpu.memory_space<vmem>> -> memref<128x128xf32, #tpu.memory_space<vmem>>
        %dma_start3A_192 = arith.constant 0 : i32
        %dma_start3A_193 = tpu.memref_slice %arg5[%rem3A_123, %dma_start3A_187, %dma_start3A_192] : memref<4x2x128xi32, #tpu.memory_space<vmem>> -> memref<1x1x128xi32, #tpu.memory_space<vmem>>
        %dma_start3A_194 = tpu.memref_squeeze %dma_start3A_193 : memref<1x1x128xi32, #tpu.memory_space<vmem>> -> memref<128xi32, #tpu.memory_space<vmem>>
        %dma_start3A_195 = arith.constant 0 : i32
        %dma_start3A_196 = arith.constant 0 : i32
        %dma_start3A_197 = tpu.memref_slice %arg2[%dma_start3A_195, %dma_start3A_196] : memref<10000x128xf32, #tpu.memory_space<hbm>> -> memref<10000x128xf32, #tpu.memory_space<hbm>>
        %dma_start3A_198 = tpu.memref_slice %arg9[%rem3A_117] : memref<2x!tpu.dma_semaphore, #tpu.memory_space<semaphore_mem>> -> memref<1x!tpu.dma_semaphore, #tpu.memory_space<semaphore_mem>>
        %dma_start3A_199 = tpu.memref_squeeze %dma_start3A_198 : memref<1x!tpu.dma_semaphore, #tpu.memory_space<semaphore_mem>> -> memref<!tpu.dma_semaphore, #tpu.memory_space<semaphore_mem>>
        tpu.enqueue_indirect_dma source(%dma_start3A_197 : memref<10000x128xf32, #tpu.memory_space<hbm>>) target(%dma_start3A_191 : memref<128x128xf32, #tpu.memory_space<vmem>>) offsets(%dma_start3A_194 : memref<128xi32, #tpu.memory_space<vmem>>) semaphore(%dma_start3A_199 : memref<!tpu.dma_semaphore, #tpu.memory_space<semaphore_mem>>)
      } else {
      }
      %dma_wait3A_132 = arith.constant 0 : i32
      %dma_wait3A_133 = arith.constant 0 : i32
      %dma_wait3A_134 = arith.constant 0 : i32
      %dma_wait3A_135 = tpu.memref_slice %arg6[%rem3A_113, %dma_wait3A_133, %dma_wait3A_134] : memref<2x128x128xf32, #tpu.memory_space<vmem>> -> memref<1x128x128xf32, #tpu.memory_space<vmem>>
      %dma_wait3A_136 = tpu.memref_squeeze %dma_wait3A_135 : memref<1x128x128xf32, #tpu.memory_space<vmem>> -> memref<128x128xf32, #tpu.memory_space<vmem>>
      %dma_wait3A_137 = arith.constant 0 : i32
      %dma_wait3A_138 = tpu.memref_slice %arg5[%rem3A_119, %dma_wait3A_132, %dma_wait3A_137] : memref<4x2x128xi32, #tpu.memory_space<vmem>> -> memref<1x1x128xi32, #tpu.memory_space<vmem>>
      %dma_wait3A_139 = tpu.memref_squeeze %dma_wait3A_138 : memref<1x1x128xi32, #tpu.memory_space<vmem>> -> memref<128xi32, #tpu.memory_space<vmem>>
      %dma_wait3A_140 = arith.constant 0 : i32
      %dma_wait3A_141 = arith.constant 0 : i32
      %dma_wait3A_142 = tpu.memref_slice %arg2[%dma_wait3A_140, %dma_wait3A_141] : memref<10000x128xf32, #tpu.memory_space<hbm>> -> memref<10000x128xf32, #tpu.memory_space<hbm>>
      %dma_wait3A_143 = tpu.memref_slice %arg9[%rem3A_113] : memref<2x!tpu.dma_semaphore, #tpu.memory_space<semaphore_mem>> -> memref<1x!tpu.dma_semaphore, #tpu.memory_space<semaphore_mem>>
      %dma_wait3A_144 = tpu.memref_squeeze %dma_wait3A_143 : memref<1x!tpu.dma_semaphore, #tpu.memory_space<semaphore_mem>> -> memref<!tpu.dma_semaphore, #tpu.memory_space<semaphore_mem>>
      tpu.wait_indirect_dma semaphore(%dma_wait3A_144 : memref<!tpu.dma_semaphore, #tpu.memory_space<semaphore_mem>>) src(%dma_wait3A_142 : memref<10000x128xf32, #tpu.memory_space<hbm>>) dst(%dma_wait3A_136 : memref<128x128xf32, #tpu.memory_space<vmem>>)
      %dma_start3A_145 = arith.constant 1 : i32
      %dma_start3A_146 = arith.constant 0 : i32
      %dma_start3A_147 = arith.constant 0 : i32
      %dma_start3A_148 = tpu.memref_slice %arg6[%rem3A_113, %dma_start3A_146, %dma_start3A_147] : memref<2x128x128xf32, #tpu.memory_space<vmem>> -> memref<1x128x128xf32, #tpu.memory_space<vmem>>
      %dma_start3A_149 = tpu.memref_squeeze %dma_start3A_148 : memref<1x128x128xf32, #tpu.memory_space<vmem>> -> memref<128x128xf32, #tpu.memory_space<vmem>>
      %dma_start3A_150 = arith.constant 0 : i32
      %dma_start3A_151 = tpu.memref_slice %arg5[%rem3A_119, %dma_start3A_145, %dma_start3A_150] : memref<4x2x128xi32, #tpu.memory_space<vmem>> -> memref<1x1x128xi32, #tpu.memory_space<vmem>>
      %dma_start3A_152 = tpu.memref_squeeze %dma_start3A_151 : memref<1x1x128xi32, #tpu.memory_space<vmem>> -> memref<128xi32, #tpu.memory_space<vmem>>
      %dma_start3A_153 = arith.constant 0 : i32
      %dma_start3A_154 = arith.constant 0 : i32
      %dma_start3A_155 = tpu.memref_slice %arg7[%dma_start3A_153, %dma_start3A_154] : memref<10240x128xf32, #tpu.memory_space<vmem_shared>> -> memref<10240x128xf32, #tpu.memory_space<vmem_shared>>
      %dma_start3A_156 = tpu.memref_slice %arg10[%rem3A_113] : memref<2x!tpu.dma_semaphore, #tpu.memory_space<semaphore_mem>> -> memref<1x!tpu.dma_semaphore, #tpu.memory_space<semaphore_mem>>
      %dma_start3A_157 = tpu.memref_squeeze %dma_start3A_156 : memref<1x!tpu.dma_semaphore, #tpu.memory_space<semaphore_mem>> -> memref<!tpu.dma_semaphore, #tpu.memory_space<semaphore_mem>>
      tpu.enqueue_indirect_dma source(%dma_start3A_149 : memref<128x128xf32, #tpu.memory_space<vmem>>) target(%dma_start3A_155 : memref<10240x128xf32, #tpu.memory_space<vmem_shared>>) offsets(%dma_start3A_152 : memref<128xi32, #tpu.memory_space<vmem>>) semaphore(%dma_start3A_157 : memref<!tpu.dma_semaphore, #tpu.memory_space<semaphore_mem>>) {add = true}
      %add3A_158 = arith.constant 2 : i32
      %add3A_159 = arith.addi %while3A_112, %add3A_158 : i32
      %lt3A_160 = arith.cmpi slt, %add3A_159, %add3A_4 : i32
      %convert_element_type3A_161 = arith.extui %lt3A_160 : i1 to i32
      %cond3A_162 = arith.constant 0 : i32
      %cond3A_163 = arith.cmpi ne, %convert_element_type3A_161, %cond3A_162 : i32
      scf.if %cond3A_163 {
        %add3A_164 = arith.constant 2 : i32
        %add3A_165 = arith.addi %while3A_112, %add3A_164 : i32
        %add3A_166 = arith.addi %add3A_8, %add3A_165 : i32
        %mul3A_167 = arith.constant 128 : i32
        %mul3A_168 = arith.muli %add3A_166, %mul3A_167 : i32
        %dma_start3A_169 = arith.constant 0 : i32
        %dma_start3A_170 = arith.constant 0 : i32
        %dma_start3A_171 = tpu.memref_slice %arg5[%rem3A_127, %dma_start3A_169, %dma_start3A_170] : memref<4x2x128xi32, #tpu.memory_space<vmem>> -> memref<1x2x128xi32, #tpu.memory_space<vmem>>
        %dma_start3A_172 = tpu.memref_squeeze %dma_start3A_171 : memref<1x2x128xi32, #tpu.memory_space<vmem>> -> memref<2x128xi32, #tpu.memory_space<vmem>>
        %dma_start3A_173 = arith.constant 0 : i32
        %dma_start3A_174 = tpu.memref_slice %arg3[%dma_start3A_173, %mul3A_168] : memref<2x320000xi32, #tpu.memory_space<hbm>> -> memref<2x128xi32, #tpu.memory_space<hbm>>
        %dma_start3A_175 = tpu.memref_slice %arg8[%rem3A_127] : memref<4x!tpu.dma_semaphore, #tpu.memory_space<semaphore_mem>> -> memref<1x!tpu.dma_semaphore, #tpu.memory_space<semaphore_mem>>
        %dma_start3A_176 = tpu.memref_squeeze %dma_start3A_175 : memref<1x!tpu.dma_semaphore, #tpu.memory_space<semaphore_mem>> -> memref<!tpu.dma_semaphore, #tpu.memory_space<semaphore_mem>>
        %dma_start3A_177 = arith.constant 0 : i32
        %dma_start3A_178 = arith.constant 0 : i32
        %dma_start3A_179 = tpu.memref_slice %arg5[%rem3A_127, %dma_start3A_177, %dma_start3A_178] : memref<4x2x128xi32, #tpu.memory_space<vmem>> -> memref<1x2x128xi32, #tpu.memory_space<vmem>>
        %dma_start3A_180 = tpu.memref_squeeze %dma_start3A_179 : memref<1x2x128xi32, #tpu.memory_space<vmem>> -> memref<2x128xi32, #tpu.memory_space<vmem>>
        %dma_start3A_181 = arith.constant 0 : i32
        %dma_start3A_182 = tpu.memref_slice %arg3[%dma_start3A_181, %mul3A_168] : memref<2x320000xi32, #tpu.memory_space<hbm>> -> memref<2x128xi32, #tpu.memory_space<hbm>>
        tpu.enqueue_dma source(%dma_start3A_182 : memref<2x128xi32, #tpu.memory_space<hbm>>) target(%dma_start3A_180 : memref<2x128xi32, #tpu.memory_space<vmem>>) target_semaphore(%dma_start3A_176 : memref<!tpu.dma_semaphore, #tpu.memory_space<semaphore_mem>>)
      } else {
      }
    }
    %while3A_102 = arith.constant 1 : i32
    scf.for %while3A_112 = %while3A_100 to %while3A_96 step %while3A_102  : i32 {
      %rem3A = arith.constant 2 : i32
      %rem3A_113 = arith.remsi %while3A_112, %rem3A : i32
      %add3A_114 = arith.constant 1 : i32
      %add3A_115 = arith.addi %while3A_112, %add3A_114 : i32
      %rem3A_116 = arith.constant 2 : i32
      %rem3A_117 = arith.remsi %add3A_115, %rem3A_116 : i32
      %rem3A_118 = arith.constant 4 : i32
      %rem3A_119 = arith.remsi %while3A_112, %rem3A_118 : i32
      %add3A_120 = arith.constant 1 : i32
      %add3A_121 = arith.addi %while3A_112, %add3A_120 : i32
      %rem3A_122 = arith.constant 4 : i32
      %rem3A_123 = arith.remsi %add3A_121, %rem3A_122 : i32
      %add3A_124 = arith.constant 2 : i32
      %add3A_125 = arith.addi %while3A_112, %add3A_124 : i32
      %rem3A_126 = arith.constant 4 : i32
      %rem3A_127 = arith.remsi %add3A_125, %rem3A_126 : i32
      %add3A_128 = arith.constant 1 : i32
      %add3A_129 = arith.addi %while3A_112, %add3A_128 : i32
      %lt3A_130 = arith.cmpi slt, %add3A_129, %add3A_4 : i32
      %convert_element_type3A = arith.extui %lt3A_130 : i1 to i32
      %cond3A = arith.constant 0 : i32
      %cond3A_131 = arith.cmpi ne, %convert_element_type3A, %cond3A : i32
      scf.if %cond3A_131 {
        %add3A_164 = arith.constant 1 : i32
        %add3A_165 = arith.addi %while3A_112, %add3A_164 : i32
        %add3A_166 = arith.addi %add3A_8, %add3A_165 : i32
        %mul3A_167 = arith.constant 128 : i32
        %mul3A_168 = arith.muli %add3A_166, %mul3A_167 : i32
        %dma_wait3A_169 = arith.constant 0 : i32
        %dma_wait3A_170 = arith.constant 0 : i32
        %dma_wait3A_171 = tpu.memref_slice %arg5[%rem3A_123, %dma_wait3A_169, %dma_wait3A_170] : memref<4x2x128xi32, #tpu.memory_space<vmem>> -> memref<1x2x128xi32, #tpu.memory_space<vmem>>
        %dma_wait3A_172 = tpu.memref_squeeze %dma_wait3A_171 : memref<1x2x128xi32, #tpu.memory_space<vmem>> -> memref<2x128xi32, #tpu.memory_space<vmem>>
        %dma_wait3A_173 = arith.constant 0 : i32
        %dma_wait3A_174 = tpu.memref_slice %arg3[%dma_wait3A_173, %mul3A_168] : memref<2x320000xi32, #tpu.memory_space<hbm>> -> memref<2x128xi32, #tpu.memory_space<hbm>>
        %dma_wait3A_175 = tpu.memref_slice %arg8[%rem3A_123] : memref<4x!tpu.dma_semaphore, #tpu.memory_space<semaphore_mem>> -> memref<1x!tpu.dma_semaphore, #tpu.memory_space<semaphore_mem>>
        %dma_wait3A_176 = tpu.memref_squeeze %dma_wait3A_175 : memref<1x!tpu.dma_semaphore, #tpu.memory_space<semaphore_mem>> -> memref<!tpu.dma_semaphore, #tpu.memory_space<semaphore_mem>>
        %dma_wait3A_177 = arith.constant 0 : i32
        %dma_wait3A_178 = arith.constant 0 : i32
        %dma_wait3A_179 = tpu.memref_slice %arg5[%rem3A_123, %dma_wait3A_177, %dma_wait3A_178] : memref<4x2x128xi32, #tpu.memory_space<vmem>> -> memref<1x2x128xi32, #tpu.memory_space<vmem>>
        %dma_wait3A_180 = tpu.memref_squeeze %dma_wait3A_179 : memref<1x2x128xi32, #tpu.memory_space<vmem>> -> memref<2x128xi32, #tpu.memory_space<vmem>>
        %dma_wait3A_181 = arith.constant 0 : i32
        %dma_wait3A_182 = tpu.memref_slice %arg3[%dma_wait3A_181, %mul3A_168] : memref<2x320000xi32, #tpu.memory_space<hbm>> -> memref<2x128xi32, #tpu.memory_space<hbm>>
        tpu.wait_dma2 semaphore(%dma_wait3A_176 : memref<!tpu.dma_semaphore, #tpu.memory_space<semaphore_mem>>) src(%dma_wait3A_182 : memref<2x128xi32, #tpu.memory_space<hbm>>) dst(%dma_wait3A_180 : memref<2x128xi32, #tpu.memory_space<vmem>>)
        %ge3A = arith.constant 1 : i32
        %ge3A_183 = arith.cmpi sge, %while3A_112, %ge3A : i32
        %convert_element_type3A_184 = arith.extui %ge3A_183 : i1 to i32
        %cond3A_185 = arith.constant 0 : i32
        %cond3A_186 = arith.cmpi ne, %convert_element_type3A_184, %cond3A_185 : i32
        scf.if %cond3A_186 {
          %dma_wait3A_200 = arith.constant 1 : i32
          %dma_wait3A_201 = arith.constant 0 : i32
          %dma_wait3A_202 = arith.constant 0 : i32
          %dma_wait3A_203 = tpu.memref_slice %arg6[%rem3A_117, %dma_wait3A_201, %dma_wait3A_202] : memref<2x128x128xf32, #tpu.memory_space<vmem>> -> memref<1x128x128xf32, #tpu.memory_space<vmem>>
          %dma_wait3A_204 = tpu.memref_squeeze %dma_wait3A_203 : memref<1x128x128xf32, #tpu.memory_space<vmem>> -> memref<128x128xf32, #tpu.memory_space<vmem>>
          %dma_wait3A_205 = arith.constant 0 : i32
          %dma_wait3A_206 = tpu.memref_slice %arg5[%rem3A_123, %dma_wait3A_200, %dma_wait3A_205] : memref<4x2x128xi32, #tpu.memory_space<vmem>> -> memref<1x1x128xi32, #tpu.memory_space<vmem>>
          %dma_wait3A_207 = tpu.memref_squeeze %dma_wait3A_206 : memref<1x1x128xi32, #tpu.memory_space<vmem>> -> memref<128xi32, #tpu.memory_space<vmem>>
          %dma_wait3A_208 = arith.constant 0 : i32
          %dma_wait3A_209 = arith.constant 0 : i32
          %dma_wait3A_210 = tpu.memref_slice %arg7[%dma_wait3A_208, %dma_wait3A_209] : memref<10240x128xf32, #tpu.memory_space<vmem_shared>> -> memref<10240x128xf32, #tpu.memory_space<vmem_shared>>
          %dma_wait3A_211 = tpu.memref_slice %arg10[%rem3A_117] : memref<2x!tpu.dma_semaphore, #tpu.memory_space<semaphore_mem>> -> memref<1x!tpu.dma_semaphore, #tpu.memory_space<semaphore_mem>>
          %dma_wait3A_212 = tpu.memref_squeeze %dma_wait3A_211 : memref<1x!tpu.dma_semaphore, #tpu.memory_space<semaphore_mem>> -> memref<!tpu.dma_semaphore, #tpu.memory_space<semaphore_mem>>
          tpu.wait_indirect_dma semaphore(%dma_wait3A_212 : memref<!tpu.dma_semaphore, #tpu.memory_space<semaphore_mem>>) src(%dma_wait3A_204 : memref<128x128xf32, #tpu.memory_space<vmem>>) dst(%dma_wait3A_210 : memref<10240x128xf32, #tpu.memory_space<vmem_shared>>)
        } else {
        }
        %dma_start3A_187 = arith.constant 0 : i32
        %dma_start3A_188 = arith.constant 0 : i32
        %dma_start3A_189 = arith.constant 0 : i32
        %dma_start3A_190 = tpu.memref_slice %arg6[%rem3A_117, %dma_start3A_188, %dma_start3A_189] : memref<2x128x128xf32, #tpu.memory_space<vmem>> -> memref<1x128x128xf32, #tpu.memory_space<vmem>>
        %dma_start3A_191 = tpu.memref_squeeze %dma_start3A_190 : memref<1x128x128xf32, #tpu.memory_space<vmem>> -> memref<128x128xf32, #tpu.memory_space<vmem>>
        %dma_start3A_192 = arith.constant 0 : i32
        %dma_start3A_193 = tpu.memref_slice %arg5[%rem3A_123, %dma_start3A_187, %dma_start3A_192] : memref<4x2x128xi32, #tpu.memory_space<vmem>> -> memref<1x1x128xi32, #tpu.memory_space<vmem>>
        %dma_start3A_194 = tpu.memref_squeeze %dma_start3A_193 : memref<1x1x128xi32, #tpu.memory_space<vmem>> -> memref<128xi32, #tpu.memory_space<vmem>>
        %dma_start3A_195 = arith.constant 0 : i32
        %dma_start3A_196 = arith.constant 0 : i32
        %dma_start3A_197 = tpu.memref_slice %arg2[%dma_start3A_195, %dma_start3A_196] : memref<10000x128xf32, #tpu.memory_space<hbm>> -> memref<10000x128xf32, #tpu.memory_space<hbm>>
        %dma_start3A_198 = tpu.memref_slice %arg9[%rem3A_117] : memref<2x!tpu.dma_semaphore, #tpu.memory_space<semaphore_mem>> -> memref<1x!tpu.dma_semaphore, #tpu.memory_space<semaphore_mem>>
        %dma_start3A_199 = tpu.memref_squeeze %dma_start3A_198 : memref<1x!tpu.dma_semaphore, #tpu.memory_space<semaphore_mem>> -> memref<!tpu.dma_semaphore, #tpu.memory_space<semaphore_mem>>
        tpu.enqueue_indirect_dma source(%dma_start3A_197 : memref<10000x128xf32, #tpu.memory_space<hbm>>) target(%dma_start3A_191 : memref<128x128xf32, #tpu.memory_space<vmem>>) offsets(%dma_start3A_194 : memref<128xi32, #tpu.memory_space<vmem>>) semaphore(%dma_start3A_199 : memref<!tpu.dma_semaphore, #tpu.memory_space<semaphore_mem>>)
      } else {
      }
      %dma_wait3A_132 = arith.constant 0 : i32
      %dma_wait3A_133 = arith.constant 0 : i32
      %dma_wait3A_134 = arith.constant 0 : i32
      %dma_wait3A_135 = tpu.memref_slice %arg6[%rem3A_113, %dma_wait3A_133, %dma_wait3A_134] : memref<2x128x128xf32, #tpu.memory_space<vmem>> -> memref<1x128x128xf32, #tpu.memory_space<vmem>>
      %dma_wait3A_136 = tpu.memref_squeeze %dma_wait3A_135 : memref<1x128x128xf32, #tpu.memory_space<vmem>> -> memref<128x128xf32, #tpu.memory_space<vmem>>
      %dma_wait3A_137 = arith.constant 0 : i32
      %dma_wait3A_138 = tpu.memref_slice %arg5[%rem3A_119, %dma_wait3A_132, %dma_wait3A_137] : memref<4x2x128xi32, #tpu.memory_space<vmem>> -> memref<1x1x128xi32, #tpu.memory_space<vmem>>
      %dma_wait3A_139 = tpu.memref_squeeze %dma_wait3A_138 : memref<1x1x128xi32, #tpu.memory_space<vmem>> -> memref<128xi32, #tpu.memory_space<vmem>>
      %dma_wait3A_140 = arith.constant 0 : i32
      %dma_wait3A_141 = arith.constant 0 : i32
      %dma_wait3A_142 = tpu.memref_slice %arg2[%dma_wait3A_140, %dma_wait3A_141] : memref<10000x128xf32, #tpu.memory_space<hbm>> -> memref<10000x128xf32, #tpu.memory_space<hbm>>
      %dma_wait3A_143 = tpu.memref_slice %arg9[%rem3A_113] : memref<2x!tpu.dma_semaphore, #tpu.memory_space<semaphore_mem>> -> memref<1x!tpu.dma_semaphore, #tpu.memory_space<semaphore_mem>>
      %dma_wait3A_144 = tpu.memref_squeeze %dma_wait3A_143 : memref<1x!tpu.dma_semaphore, #tpu.memory_space<semaphore_mem>> -> memref<!tpu.dma_semaphore, #tpu.memory_space<semaphore_mem>>
      tpu.wait_indirect_dma semaphore(%dma_wait3A_144 : memref<!tpu.dma_semaphore, #tpu.memory_space<semaphore_mem>>) src(%dma_wait3A_142 : memref<10000x128xf32, #tpu.memory_space<hbm>>) dst(%dma_wait3A_136 : memref<128x128xf32, #tpu.memory_space<vmem>>)
      %dma_start3A_145 = arith.constant 1 : i32
      %dma_start3A_146 = arith.constant 0 : i32
      %dma_start3A_147 = arith.constant 0 : i32
      %dma_start3A_148 = tpu.memref_slice %arg6[%rem3A_113, %dma_start3A_146, %dma_start3A_147] : memref<2x128x128xf32, #tpu.memory_space<vmem>> -> memref<1x128x128xf32, #tpu.memory_space<vmem>>
      %dma_start3A_149 = tpu.memref_squeeze %dma_start3A_148 : memref<1x128x128xf32, #tpu.memory_space<vmem>> -> memref<128x128xf32, #tpu.memory_space<vmem>>
      %dma_start3A_150 = arith.constant 0 : i32
      %dma_start3A_151 = tpu.memref_slice %arg5[%rem3A_119, %dma_start3A_145, %dma_start3A_150] : memref<4x2x128xi32, #tpu.memory_space<vmem>> -> memref<1x1x128xi32, #tpu.memory_space<vmem>>
      %dma_start3A_152 = tpu.memref_squeeze %dma_start3A_151 : memref<1x1x128xi32, #tpu.memory_space<vmem>> -> memref<128xi32, #tpu.memory_space<vmem>>
      %dma_start3A_153 = arith.constant 0 : i32
      %dma_start3A_154 = arith.constant 0 : i32
      %dma_start3A_155 = tpu.memref_slice %arg7[%dma_start3A_153, %dma_start3A_154] : memref<10240x128xf32, #tpu.memory_space<vmem_shared>> -> memref<10240x128xf32, #tpu.memory_space<vmem_shared>>
      %dma_start3A_156 = tpu.memref_slice %arg10[%rem3A_113] : memref<2x!tpu.dma_semaphore, #tpu.memory_space<semaphore_mem>> -> memref<1x!tpu.dma_semaphore, #tpu.memory_space<semaphore_mem>>
      %dma_start3A_157 = tpu.memref_squeeze %dma_start3A_156 : memref<1x!tpu.dma_semaphore, #tpu.memory_space<semaphore_mem>> -> memref<!tpu.dma_semaphore, #tpu.memory_space<semaphore_mem>>
      tpu.enqueue_indirect_dma source(%dma_start3A_149 : memref<128x128xf32, #tpu.memory_space<vmem>>) target(%dma_start3A_155 : memref<10240x128xf32, #tpu.memory_space<vmem_shared>>) offsets(%dma_start3A_152 : memref<128xi32, #tpu.memory_space<vmem>>) semaphore(%dma_start3A_157 : memref<!tpu.dma_semaphore, #tpu.memory_space<semaphore_mem>>) {add = true}
      %add3A_158 = arith.constant 2 : i32
      %add3A_159 = arith.addi %while3A_112, %add3A_158 : i32
      %lt3A_160 = arith.cmpi slt, %add3A_159, %add3A_4 : i32
      %convert_element_type3A_161 = arith.extui %lt3A_160 : i1 to i32
      %cond3A_162 = arith.constant 0 : i32
      %cond3A_163 = arith.cmpi ne, %convert_element_type3A_161, %cond3A_162 : i32
      scf.if %cond3A_163 {
        %add3A_164 = arith.constant 2 : i32
        %add3A_165 = arith.addi %while3A_112, %add3A_164 : i32
        %add3A_166 = arith.addi %add3A_8, %add3A_165 : i32
        %mul3A_167 = arith.constant 128 : i32
        %mul3A_168 = arith.muli %add3A_166, %mul3A_167 : i32
        %dma_start3A_169 = arith.constant 0 : i32
        %dma_start3A_170 = arith.constant 0 : i32
        %dma_start3A_171 = tpu.memref_slice %arg5[%rem3A_127, %dma_start3A_169, %dma_start3A_170] : memref<4x2x128xi32, #tpu.memory_space<vmem>> -> memref<1x2x128xi32, #tpu.memory_space<vmem>>
        %dma_start3A_172 = tpu.memref_squeeze %dma_start3A_171 : memref<1x2x128xi32, #tpu.memory_space<vmem>> -> memref<2x128xi32, #tpu.memory_space<vmem>>
        %dma_start3A_173 = arith.constant 0 : i32
        %dma_start3A_174 = tpu.memref_slice %arg3[%dma_start3A_173, %mul3A_168] : memref<2x320000xi32, #tpu.memory_space<hbm>> -> memref<2x128xi32, #tpu.memory_space<hbm>>
        %dma_start3A_175 = tpu.memref_slice %arg8[%rem3A_127] : memref<4x!tpu.dma_semaphore, #tpu.memory_space<semaphore_mem>> -> memref<1x!tpu.dma_semaphore, #tpu.memory_space<semaphore_mem>>
        %dma_start3A_176 = tpu.memref_squeeze %dma_start3A_175 : memref<1x!tpu.dma_semaphore, #tpu.memory_space<semaphore_mem>> -> memref<!tpu.dma_semaphore, #tpu.memory_space<semaphore_mem>>
        %dma_start3A_177 = arith.constant 0 : i32
        %dma_start3A_178 = arith.constant 0 : i32
        %dma_start3A_179 = tpu.memref_slice %arg5[%rem3A_127, %dma_start3A_177, %dma_start3A_178] : memref<4x2x128xi32, #tpu.memory_space<vmem>> -> memref<1x2x128xi32, #tpu.memory_space<vmem>>
        %dma_start3A_180 = tpu.memref_squeeze %dma_start3A_179 : memref<1x2x128xi32, #tpu.memory_space<vmem>> -> memref<2x128xi32, #tpu.memory_space<vmem>>
        %dma_start3A_181 = arith.constant 0 : i32
        %dma_start3A_182 = tpu.memref_slice %arg3[%dma_start3A_181, %mul3A_168] : memref<2x320000xi32, #tpu.memory_space<hbm>> -> memref<2x128xi32, #tpu.memory_space<hbm>>
        tpu.enqueue_dma source(%dma_start3A_182 : memref<2x128xi32, #tpu.memory_space<hbm>>) target(%dma_start3A_180 : memref<2x128xi32, #tpu.memory_space<vmem>>) target_semaphore(%dma_start3A_176 : memref<!tpu.dma_semaphore, #tpu.memory_space<semaphore_mem>>)
      } else {
      }
    }
    %scan3A_103 = arith.constant 0 : i32
    %scan3A_104 = arith.constant 0 : i32
    %scan3A_105 = arith.constant 2 : i32
    %scan3A_106 = arith.addi %scan3A_104, %scan3A_105 : i32
    %scan3A_107 = arith.constant 1 : i32
    scf.for %scan3A_112 = %scan3A_104 to %scan3A_106 step %scan3A_107  : i32 {
      %rem3A = arith.constant 2 : i32
      %rem3A_113 = arith.remsi %scan3A_112, %rem3A : i32
      %dma_wait3A_114 = arith.constant 0 : i32
      %dma_wait3A_115 = arith.constant 1 : i32
      %dma_wait3A_116 = arith.constant 0 : i32
      %dma_wait3A_117 = arith.constant 0 : i32
      %dma_wait3A_118 = tpu.memref_slice %arg6[%rem3A_113, %dma_wait3A_116, %dma_wait3A_117] : memref<2x128x128xf32, #tpu.memory_space<vmem>> -> memref<1x128x128xf32, #tpu.memory_space<vmem>>
      %dma_wait3A_119 = tpu.memref_squeeze %dma_wait3A_118 : memref<1x128x128xf32, #tpu.memory_space<vmem>> -> memref<128x128xf32, #tpu.memory_space<vmem>>
      %dma_wait3A_120 = arith.constant 0 : i32
      %dma_wait3A_121 = tpu.memref_slice %arg5[%dma_wait3A_114, %dma_wait3A_115, %dma_wait3A_120] : memref<4x2x128xi32, #tpu.memory_space<vmem>> -> memref<1x1x128xi32, #tpu.memory_space<vmem>>
      %dma_wait3A_122 = tpu.memref_squeeze %dma_wait3A_121 : memref<1x1x128xi32, #tpu.memory_space<vmem>> -> memref<128xi32, #tpu.memory_space<vmem>>
      %dma_wait3A_123 = arith.constant 0 : i32
      %dma_wait3A_124 = arith.constant 0 : i32
      %dma_wait3A_125 = tpu.memref_slice %arg7[%dma_wait3A_123, %dma_wait3A_124] : memref<10240x128xf32, #tpu.memory_space<vmem_shared>> -> memref<10240x128xf32, #tpu.memory_space<vmem_shared>>
      %dma_wait3A_126 = tpu.memref_slice %arg10[%rem3A_113] : memref<2x!tpu.dma_semaphore, #tpu.memory_space<semaphore_mem>> -> memref<1x!tpu.dma_semaphore, #tpu.memory_space<semaphore_mem>>
      %dma_wait3A_127 = tpu.memref_squeeze %dma_wait3A_126 : memref<1x!tpu.dma_semaphore, #tpu.memory_space<semaphore_mem>> -> memref<!tpu.dma_semaphore, #tpu.memory_space<semaphore_mem>>
      tpu.wait_indirect_dma semaphore(%dma_wait3A_127 : memref<!tpu.dma_semaphore, #tpu.memory_space<semaphore_mem>>) src(%dma_wait3A_119 : memref<128x128xf32, #tpu.memory_space<vmem>>) dst(%dma_wait3A_125 : memref<10240x128xf32, #tpu.memory_space<vmem_shared>>)
    }
    %scan3A_108 = arith.constant 2 : i32
    %barrier3A_109 = arith.constant 0 : index
    tpu.barrier barrier_id(%barrier3A_109)
    %mul3A_110 = arith.constant 640 : i32
    %mul3A_111 = arith.muli %arg1, %mul3A_110 : i32
    "tpu.region"() ({
      %run_scoped3A = tpu.sem_alloc : memref<!tpu.dma_semaphore, #tpu.memory_space<semaphore_mem>>
      %dma_start3A_112 = arith.constant 0 : i32
      %dma_start3A_113 = arith.constant 0 : i32
      %dma_start3A_114 = tpu.memref_slice %arg4[%arg0, %arg1, %dma_start3A_112, %dma_start3A_113] : memref<2x16x640x128xf32, #tpu.memory_space<hbm>> -> memref<1x1x640x128xf32, #tpu.memory_space<hbm>>
      %dma_start3A_115 = tpu.memref_squeeze %dma_start3A_114 : memref<1x1x640x128xf32, #tpu.memory_space<hbm>> -> memref<640x128xf32, #tpu.memory_space<hbm>>
      %dma_start3A_116 = arith.constant 0 : i32
      %dma_start3A_117 = tpu.memref_slice %arg7[%mul3A_111, %dma_start3A_116] : memref<10240x128xf32, #tpu.memory_space<vmem_shared>> -> memref<640x128xf32, #tpu.memory_space<vmem_shared>>
      tpu.enqueue_dma source(%dma_start3A_117 : memref<640x128xf32, #tpu.memory_space<vmem_shared>>) target(%dma_start3A_115 : memref<640x128xf32, #tpu.memory_space<hbm>>) target_semaphore(%run_scoped3A : memref<!tpu.dma_semaphore, #tpu.memory_space<semaphore_mem>>)
      %dma_wait3A_118 = arith.constant 0 : i32
      %dma_wait3A_119 = arith.constant 0 : i32
      %dma_wait3A_120 = tpu.memref_slice %arg4[%arg0, %arg1, %dma_wait3A_118, %dma_wait3A_119] : memref<2x16x640x128xf32, #tpu.memory_space<hbm>> -> memref<1x1x640x128xf32, #tpu.memory_space<hbm>>
      %dma_wait3A_121 = tpu.memref_squeeze %dma_wait3A_120 : memref<1x1x640x128xf32, #tpu.memory_space<hbm>> -> memref<640x128xf32, #tpu.memory_space<hbm>>
      %dma_wait3A_122 = arith.constant 0 : i32
      %dma_wait3A_123 = tpu.memref_slice %arg7[%mul3A_111, %dma_wait3A_122] : memref<10240x128xf32, #tpu.memory_space<vmem_shared>> -> memref<640x128xf32, #tpu.memory_space<vmem_shared>>
      tpu.wait_dma2 semaphore(%run_scoped3A : memref<!tpu.dma_semaphore, #tpu.memory_space<semaphore_mem>>) src(%dma_wait3A_123 : memref<640x128xf32, #tpu.memory_space<vmem_shared>>) dst(%dma_wait3A_121 : memref<640x128xf32, #tpu.memory_space<hbm>>)
      tpu.yield
    }) : () -> ()
    return
  }
}

module attributes {stable_mosaic.version = 14 : i64} {
  func.func @body(%arg0: i32, %arg1: memref<2x1024x128xf32, #tpu.memory_space<vmem>>, %arg2: memref<2x10240xf32, #tpu.memory_space<vmem>>, %arg3: memref<1024x128xf32, #tpu.memory_space<vmem>>) attributes {dimension_semantics = [#tpu.dimension_semantics<arbitrary>], iteration_bounds = array<i64: 10>, scalar_prefetch = 0 : i64, scratch_operands = 0 : i64, tpu.core_type = #tpu.core_type<tc>, window_params = [{transform_indices = @transform_0, window_bounds = array<i64: 2, 1024, 128>}, {pipeline_mode = #tpu.pipeline_mode<synchronous>, transform_indices = @transform_1, window_bounds = array<i64: 2, 10240>}, {transform_indices = @transform_2, window_bounds = array<i64: 1024, 128>}]} {
    %mul3A = arith.constant 1024 : i32
    %mul3A_0 = arith.muli %arg0, %mul3A : i32
    %get3A = arith.constant 0 : index
    %get3A_1 = arith.index_cast %mul3A_0 : i32 to index
    %get3A_2 = vector.load %arg2[%get3A, %get3A_1] : memref<2x10240xf32, #tpu.memory_space<vmem>>, vector<1x1024xf32>
    %get3A_3 = vector.shape_cast %get3A_2 : vector<1x1024xf32> to vector<1024xf32>
    %mul3A_4 = arith.constant 1024 : i32
    %mul3A_5 = arith.muli %arg0, %mul3A_4 : i32
    %get3A_6 = arith.constant 1 : index
    %get3A_7 = arith.index_cast %mul3A_5 : i32 to index
    %get3A_8 = vector.load %arg2[%get3A_6, %get3A_7] : memref<2x10240xf32, #tpu.memory_space<vmem>>, vector<1x1024xf32>
    %get3A_9 = vector.shape_cast %get3A_8 : vector<1x1024xf32> to vector<1024xf32>
    %add3A = arith.addf %get3A_3, %get3A_9 : vector<1024xf32>
    %gt3A = arith.constant 0.000000e+00 : f32
    %gt3A_10 = vector.broadcast %gt3A : f32 to vector<1024xf32>
    %gt3A_11 = arith.cmpf ogt, %add3A, %gt3A_10 : vector<1024xf32>
    %max3A = arith.constant 1.000000e+00 : f32
    %max3A_12 = vector.broadcast %max3A : f32 to vector<1024xf32>
    %max3A_13 = arith.maximumf %add3A, %max3A_12 : vector<1024xf32>
    %rsqrt3A = math.rsqrt %max3A_13 : vector<1024xf32>
    %jit3A = arith.constant 0.000000e+00 : f32
    %broadcast_in_dim3A = vector.broadcast %jit3A : f32 to vector<1024xf32>
    %select_n3A = arith.select %gt3A_11, %rsqrt3A, %broadcast_in_dim3A : vector<1024xi1>, vector<1024xf32>
    %get3A_14 = arith.constant 0 : index
    %get3A_15 = arith.constant 0 : index
    %get3A_16 = arith.constant 0 : index
    %get3A_17 = vector.load %arg1[%get3A_14, %get3A_15, %get3A_16] : memref<2x1024x128xf32, #tpu.memory_space<vmem>>, vector<1x1024x128xf32>
    %get3A_18 = vector.shape_cast %get3A_17 : vector<1x1024x128xf32> to vector<1024x128xf32>
    %get3A_19 = arith.constant 1 : index
    %get3A_20 = arith.constant 0 : index
    %get3A_21 = arith.constant 0 : index
    %get3A_22 = vector.load %arg1[%get3A_19, %get3A_20, %get3A_21] : memref<2x1024x128xf32, #tpu.memory_space<vmem>>, vector<1x1024x128xf32>
    %get3A_23 = vector.shape_cast %get3A_22 : vector<1x1024x128xf32> to vector<1024x128xf32>
    %add3A_24 = arith.addf %get3A_18, %get3A_23 : vector<1024x128xf32>
    %broadcast_in_dim3A_25 = vector.shape_cast %select_n3A : vector<1024xf32> to vector<1024x1xf32>
    %mul3A_26 = vector.broadcast %broadcast_in_dim3A_25 : vector<1024x1xf32> to vector<1024x128xf32>
    %mul3A_27 = arith.mulf %add3A_24, %mul3A_26 : vector<1024x128xf32>
    %max3A_28 = arith.constant 0.000000e+00 : f32
    %max3A_29 = vector.broadcast %max3A_28 : f32 to vector<1024x128xf32>
    %max3A_30 = arith.maximumf %mul3A_27, %max3A_29 : vector<1024x128xf32>
    %swap3A = arith.constant 0 : index
    %swap3A_31 = arith.constant 0 : index
    %swap3A_32 = vector.load %arg3[%swap3A, %swap3A_31] : memref<1024x128xf32, #tpu.memory_space<vmem>>, vector<1024x128xf32>
    tpu.vector_store %arg3[%swap3A, %swap3A_31], %max3A_30 {strides = array<i32>} : memref<1024x128xf32, #tpu.memory_space<vmem>>, vector<1024x128xf32>,
    return
  }
  func.func @transform_0(%arg0: i32) -> (i32, i32, i32) {
    %c0_i32 = arith.constant 0 : i32
    %c0_i32_0 = arith.constant 0 : i32
    %c0_i32_1 = arith.constant 0 : i32
    return %c0_i32, %arg0, %c0_i32_0 : i32, i32, i32
  }
  func.func @transform_1(%arg0: i32) -> (i32, i32) {
    %c0_i32 = arith.constant 0 : i32
    %c0_i32_0 = arith.constant 0 : i32
    %c0_i32_1 = arith.constant 0 : i32
    return %c0_i32, %c0_i32_0 : i32, i32
  }
  func.func @transform_2(%arg0: i32) -> (i32, i32) {
    %c0_i32 = arith.constant 0 : i32
    %c0_i32_0 = arith.constant 0 : i32
    return %arg0, %c0_i32 : i32, i32
  }
}

module attributes {stable_mosaic.version = 14 : i64} {
  func.func @body(%arg0: i32, %arg1: memref<1024x128xf32, #tpu.memory_space<vmem>>, %arg2: memref<128x128xf32, #tpu.memory_space<vmem>>, %arg3: memref<1x128xf32, #tpu.memory_space<vmem>>, %arg4: memref<2x10240xf32, #tpu.memory_space<vmem>>, %arg5: memref<1024x128xf32, #tpu.memory_space<vmem>>) attributes {dimension_semantics = [#tpu.dimension_semantics<arbitrary>], iteration_bounds = array<i64: 10>, scalar_prefetch = 0 : i64, scratch_operands = 0 : i64, tpu.core_type = #tpu.core_type<tc>, window_params = [{transform_indices = @transform_0, window_bounds = array<i64: 1024, 128>}, {pipeline_mode = #tpu.pipeline_mode<synchronous>, transform_indices = @transform_1, window_bounds = array<i64: 128, 128>}, {pipeline_mode = #tpu.pipeline_mode<synchronous>, transform_indices = @transform_2, window_bounds = array<i64: 1, 128>}, {pipeline_mode = #tpu.pipeline_mode<synchronous>, transform_indices = @transform_3, window_bounds = array<i64: 2, 10240>}, {transform_indices = @transform_4, window_bounds = array<i64: 1024, 128>}]} {
    %mul3A = arith.constant 1024 : i32
    %mul3A_0 = arith.muli %arg0, %mul3A : i32
    %get3A = arith.constant 0 : index
    %get3A_1 = arith.index_cast %mul3A_0 : i32 to index
    %get3A_2 = vector.load %arg4[%get3A, %get3A_1] : memref<2x10240xf32, #tpu.memory_space<vmem>>, vector<1x1024xf32>
    %get3A_3 = vector.shape_cast %get3A_2 : vector<1x1024xf32> to vector<1024xf32>
    %mul3A_4 = arith.constant 1024 : i32
    %mul3A_5 = arith.muli %arg0, %mul3A_4 : i32
    %get3A_6 = arith.constant 1 : index
    %get3A_7 = arith.index_cast %mul3A_5 : i32 to index
    %get3A_8 = vector.load %arg4[%get3A_6, %get3A_7] : memref<2x10240xf32, #tpu.memory_space<vmem>>, vector<1x1024xf32>
    %get3A_9 = vector.shape_cast %get3A_8 : vector<1x1024xf32> to vector<1024xf32>
    %add3A = arith.addf %get3A_3, %get3A_9 : vector<1024xf32>
    %gt3A = arith.constant 0.000000e+00 : f32
    %gt3A_10 = vector.broadcast %gt3A : f32 to vector<1024xf32>
    %gt3A_11 = arith.cmpf ogt, %add3A, %gt3A_10 : vector<1024xf32>
    %max3A = arith.constant 1.000000e+00 : f32
    %max3A_12 = vector.broadcast %max3A : f32 to vector<1024xf32>
    %max3A_13 = arith.maximumf %add3A, %max3A_12 : vector<1024xf32>
    %rsqrt3A = math.rsqrt %max3A_13 : vector<1024xf32>
    %jit3A = arith.constant 0.000000e+00 : f32
    %broadcast_in_dim3A = vector.broadcast %jit3A : f32 to vector<1024xf32>
    %select_n3A = arith.select %gt3A_11, %rsqrt3A, %broadcast_in_dim3A : vector<1024xi1>, vector<1024xf32>
    %get3A_14 = arith.constant 0 : index
    %get3A_15 = arith.constant 0 : index
    %get3A_16 = vector.load %arg1[%get3A_14, %get3A_15] : memref<1024x128xf32, #tpu.memory_space<vmem>>, vector<1024x128xf32>
    %get3A_17 = arith.constant 0 : index
    %get3A_18 = arith.constant 0 : index
    %get3A_19 = vector.load %arg2[%get3A_17, %get3A_18] : memref<128x128xf32, #tpu.memory_space<vmem>>, vector<128x128xf32>
    %dot_general3A = arith.constant dense<0.000000e+00> : vector<1024x128xf32>
    %dot_general3A_20 = tpu.matmul %get3A_16, %get3A_19, %dot_general3A {dimension_numbers = #tpu.dot_dimension_numbers<[1], [1], [0], [0], [0, 0, 1, 0], [], []>, transpose_lhs_hint = false} : vector<1024x128xf32>, vector<128x128xf32>, vector<1024x128xf32> -> vector<1024x128xf32>
    %get3A_21 = arith.constant 0 : index
    %get3A_22 = arith.constant 0 : index
    %get3A_23 = vector.load %arg3[%get3A_21, %get3A_22] : memref<1x128xf32, #tpu.memory_space<vmem>>, vector<1x128xf32>
    %add3A_24 = vector.broadcast %get3A_23 : vector<1x128xf32> to vector<1024x128xf32>
    %add3A_25 = arith.addf %dot_general3A_20, %add3A_24 : vector<1024x128xf32>
    %broadcast_in_dim3A_26 = vector.shape_cast %select_n3A : vector<1024xf32> to vector<1024x1xf32>
    %mul3A_27 = vector.broadcast %broadcast_in_dim3A_26 : vector<1024x1xf32> to vector<1024x128xf32>
    %mul3A_28 = arith.mulf %add3A_25, %mul3A_27 : vector<1024x128xf32>
    %swap3A = arith.constant 0 : index
    %swap3A_29 = arith.constant 0 : index
    %swap3A_30 = vector.load %arg5[%swap3A, %swap3A_29] : memref<1024x128xf32, #tpu.memory_space<vmem>>, vector<1024x128xf32>
    tpu.vector_store %arg5[%swap3A, %swap3A_29], %mul3A_28 {strides = array<i32>} : memref<1024x128xf32, #tpu.memory_space<vmem>>, vector<1024x128xf32>,
    return
  }
  func.func @transform_0(%arg0: i32) -> (i32, i32) {
    %c0_i32 = arith.constant 0 : i32
    %c0_i32_0 = arith.constant 0 : i32
    return %arg0, %c0_i32 : i32, i32
  }
  func.func @transform_1(%arg0: i32) -> (i32, i32) {
    %c0_i32 = arith.constant 0 : i32
    %c0_i32_0 = arith.constant 0 : i32
    %c0_i32_1 = arith.constant 0 : i32
    return %c0_i32, %c0_i32_0 : i32, i32
  }
  func.func @transform_2(%arg0: i32) -> (i32, i32) {
    %c0_i32 = arith.constant 0 : i32
    %c0_i32_0 = arith.constant 0 : i32
    %c0_i32_1 = arith.constant 0 : i32
    return %c0_i32, %c0_i32_0 : i32, i32
  }
  func.func @transform_3(%arg0: i32) -> (i32, i32) {
    %c0_i32 = arith.constant 0 : i32
    %c0_i32_0 = arith.constant 0 : i32
    %c0_i32_1 = arith.constant 0 : i32
    return %c0_i32, %c0_i32_0 : i32, i32
  }
  func.func @transform_4(%arg0: i32) -> (i32, i32) {
    %c0_i32 = arith.constant 0 : i32
    %c0_i32_0 = arith.constant 0 : i32
    return %arg0, %c0_i32 : i32, i32
  }
}

</mosaic_0001>

<sc_bundles>
// kernel: kernel.6.cloned.1.call-start
scs
__scs_entry_jumppad:
0x0: {  	(pc) =	sbr.rel $0x88, $3  }
0x1: {  	(tag) =	ssettag $0x0;
	lr =	simm.s32 $0x1  }
0x2: {  	[smem:$0x3F9D] =	sst lr;
	_ =	strace $0xD0000000  }
0x3: {  	_ = 	snop  }
0x4: {  	_ = 	snop  }
0x5: {  	_ = 	snop  }
0x6: {  	_ = 	snop  }
0x7: {  	_ = 	snop  }
__scs_overlays_trampoline_lowered:
0x8: {  	[smem:$0x3FAC] =	sst s0  }
0x9: {  	[smem:$0x3FAD] =	sst s1  }
0xa: {  	[smem:$0x3FAE] =	sst s2  }
0xb: {  	[smem:$0x3FAF] =	sst s3  }
0xc: {  	[smem:$0x3FB0] =	sst s4  }
0xd: {  	[smem:$0x3FB1] =	sst s5  }
0xe: {  	[smem:$0x3FB2] =	sst s6  }
0xf: {  	[smem:$0x3FB3] =	sst s7  }
0x10: {  	[smem:$0x3FB4] =	sst s8  }
0x11: {  	[smem:$0x3FB5] =	sst s9;
	s0 =	simm.s32 @!p0 $0x0  }
0x12: {  	s1 =	sld [smem:$0x3F9B];
	s0 =	simm.s32 @p0 $0x1  }
0x13: {  	[smem:$0x3FB6] =	sst s0;
	s0 =	simm.s32 @!p1 $0x0  }
0x14: {  	s2 =	sld [smem:$0x3F9A];
	s0 =	simm.s32 @p1 $0x1  }
0x15: {  	[smem:$0x3FB7] =	sst s0;
	s0 =	simm.s32 @!p2 $0x0  }
0x16: {  	s3 =	sld [smem:$0x3FDB];
	s0 =	simm.s32 @p2 $0x1  }
0x17: {  	s4 =	simm.s32 $0x1BF5;
	[smem:$0x3FB9] =	sst s0  }
0x18: {  	s0 =	sld [smem:$0x3F9C];
	_ =	swait.ge [sflag:s4], $0x0  }
0x19: {  	s7 =	sld [smem:$0x3F9D]  }
0x1a: {  	s8 =	sadd.s32 $0xFFFFE003, lr  }
0x1b: {  	s9 =	sadd.s32 $0xFFFFFEF7, lr;
	s5 =	simm.s32 $0xFFFFFFFF;
	p2 =	slt.u32 s8, $0xFFFFF086  }
0x1c: {  	p1 =	slt.u32 s9, $0xF7A;
	s5 =	simm.s32 @!p2 $0x0  }
0x1d: {  	s5 =	simm.s32 @p1 $0x1;
	p0 =	seq.s32 s7, s2  }
0x1e: {  	s7 =	smul.u32 @!p0 $0xF7A, s2;
	p2 =	seq.s32 @!p0 s5, $0x0  }
0x1f: {  	s9 =	smul.u32 $0xF7A, s1;
	s8 =	simm.s32 @!p0 $0x1BF5;
	p2 =	por !p2, p0  }
0x20: {  	[sflag:s8] =	ssyncset.s32 @!p0 $0xFFFFF086;
	s6 =	sadd.s32 @!p0 s3, s7;
	s7 =	simm.s32 @!p0 $0x108  }
0x21: {  	s3 =	sadd.s32 s3, s9;
	s6 =	sadd.s32 @!p0 $0x88, s6;
	s7 =	simm.s32 @p2 $0x1082  }
0x22: {  	[simem:s7], [sflag:s8] =	dma.local @!p0 [hbm:s6], $0xF7A  }
0x23: {  	s9 =	sor.u32 $0xD0000000, s2;
	s6 =	simm.s32 $0x108;
	_ =	swait.ge @!p0 [sflag:s8], $0x0  }
0x24: {  	s3 =	sadd.s32 $0x88, s3;
	s6 =	simm.s32 @!p1 $0x1082;
	[sflag:s4] =	ssyncset.s32 $0xFFFFF086  }
0x25: {  	[simem:s6], [sflag:s4] =	dma.local [hbm:s3], $0xF7A  }
0x26: {  	[smem:$0x3F9D] =	sst s1;
	(tag) =	ssettag s2;
	_ =	strace s9  }
0x27: {  	s1 =	sld [smem:$0x3FAD]  }
0x28: {  	s2 =	sld [smem:$0x3FAE]  }
0x29: {  	s4 =	sld [smem:$0x3FB0]  }
0x2a: {  	p0 =	seq.s32 s5, $0x0;
	s5 =	sld [smem:$0x3FB1]  }
0x2b: {  	s6 =	sld [smem:$0x3FB2]  }
0x2c: {  	s7 =	sld [smem:$0x3FB3]  }
0x2d: {  	s3 =	simm.s32 $0x108;
	s8 =	sld [smem:$0x3FB4]  }
0x2e: {  	s3 =	simm.s32 @!p0 $0x1082;
	s9 =	sld [smem:$0x3FB5]  }
0x2f: {  	lr =	sadd.s32 s0, s3;
	s0 =	sld [smem:$0x3FAC]  }
0x30: {  	s3 =	sld [smem:$0x3FAF]  }
0x31: {  	[smem:$0x3FB8] =	sst s10  }
0x32: {  	s10 =	sld [smem:$0x3FB6];
	_ =	sdelay $0x3  }
0x33: {  	p0 =	seq.s32 s10, $0x1;
	s10 =	sld [smem:$0x3FB8];
	_ =	sdelay $0x3  }
0x34: {  	[smem:$0x3FB8] =	sst s10  }
0x35: {  	s10 =	sld [smem:$0x3FB7];
	_ =	sdelay $0x3  }
0x36: {  	p1 =	seq.s32 s10, $0x1;
	s10 =	sld [smem:$0x3FB8];
	_ =	sdelay $0x3  }
0x37: {  	[smem:$0x3FB8] =	sst s10  }
0x38: {  	s10 =	sld [smem:$0x3FB9]  }
0x39: {  	_ = 	snop;
	(pc) =	sbr.ind lr, $3  }
0x3a: {  	_ = 	snop  }
0x3b: {  	_ = 	snop  }
0x3c: {  	p2 =	seq.s32 s10, $0x1;
	s10 =	sld [smem:$0x3FB8]  }
0x3d: {  	_ =	shalt  }
0x3e: {  	_ =	shalt  }
0x3f: {  	_ =	shalt  }
0x40: {  	_ =	shalt  }
0x41: {  	_ =	shalt  }
0x42: {  	_ =	shalt  }
0x43: {  	_ =	shalt  }
0x44: {  	_ =	shalt  }
0x45: {  	_ =	shalt  }
0x46: {  	_ =	shalt  }
0x47: {  	_ =	shalt  }
0x48: {  	_ =	shalt  }
0x49: {  	_ =	shalt  }
0x4a: {  	_ =	shalt  }
0x4b: {  	_ =	shalt  }
0x4c: {  	_ =	shalt  }
0x4d: {  	_ =	shalt  }
0x4e: {  	_ =	shalt  }
0x4f: {  	_ =	shalt  }
0x50: {  	_ =	shalt  }
0x51: {  	_ =	shalt  }
0x52: {  	_ =	shalt  }
0x53: {  	_ =	shalt  }
0x54: {  	_ =	shalt  }
0x55: {  	_ =	shalt  }
0x56: {  	_ =	shalt  }
0x57: {  	_ =	shalt  }
0x58: {  	_ =	shalt  }
0x59: {  	_ =	shalt  }
0x5a: {  	_ =	shalt  }
0x5b: {  	_ =	shalt  }
0x5c: {  	_ =	shalt  }
0x5d: {  	_ =	shalt  }
0x5e: {  	_ =	shalt  }
0x5f: {  	_ =	shalt  }
0x60: {  	_ =	shalt  }
0x61: {  	_ =	shalt  }
0x62: {  	_ =	shalt  }
0x63: {  	_ =	shalt  }
0x64: {  	_ =	shalt  }
0x65: {  	_ =	shalt  }
0x66: {  	_ =	shalt  }
0x67: {  	_ =	shalt  }
0x68: {  	_ =	shalt  }
0x69: {  	_ =	shalt  }
0x6a: {  	_ =	shalt  }
0x6b: {  	_ =	shalt  }
0x6c: {  	_ =	shalt  }
0x6d: {  	_ =	shalt  }
0x6e: {  	_ =	shalt  }
0x6f: {  	_ =	shalt  }
0x70: {  	_ =	shalt  }
0x71: {  	_ =	shalt  }
0x72: {  	_ =	shalt  }
0x73: {  	_ =	shalt  }
0x74: {  	_ =	shalt  }
0x75: {  	_ =	shalt  }
0x76: {  	_ =	shalt  }
0x77: {  	_ =	shalt  }
0x78: {  	_ =	shalt  }
0x79: {  	_ =	shalt  }
0x7a: {  	_ =	shalt  }
0x7b: {  	_ =	shalt  }
0x7c: {  	_ =	shalt  }
0x7d: {  	_ =	shalt  }
0x7e: {  	_ =	shalt  }
0x7f: {  	_ =	shalt  }
0x80: {  	_ =	shalt  }
0x81: {  	_ =	shalt  }
0x82: {  	_ =	shalt  }
0x83: {  	_ =	shalt  }
0x84: {  	_ =	shalt  }
0x85: {  	_ =	shalt  }
0x86: {  	_ =	shalt  }
0x87: {  	_ =	shalt  }
.Lfunc_end0:
.L_simem_size_0:
called_computation_lowered:
.L_overlay_start_0:
0x88: {  	s2 =	sld [smem:$0x3FD9]  }
0x89: {  	s3 =	sld [smem:$0x3FFE];
	_ =	sdelay $0x1  }
0x8a: {  	s1 =	srdreg.scid  }
0x8b: {  	s0 =	sand.u32 $0x1, s1  }
0x8c: {  	s18 =	sshll.u32 s0, $0xA;
	s2 =	sadd.s32 s3, s2  }
0x8d: {  	s2 =	sadd.s32 s2, s18  }
0x8e: {  	[smem:$0x3FC4] =	sst s2  }
0x8f: {  	_ = 	snop  }
0x90: {  	s2 =	sld [smem:$0x3FC8]  }
0x91: {  	s19 =	sld [smem:$0x3FD0];
	(tm) =	ssettm $0x1  }
0x92: {  	s4 =	sld [smem:$0x3FFB];
	_ =	sdelay $0x3  }
0x93: {  	_ =	strace s4  }
0x94: {  	s4 =	sld [smem:$0x3FFC];
	_ =	sdelay $0x3  }
0x95: {  	_ =	strace s4  }
0x96: {  	s4 =	sld [smem:$0x3FFD];
	_ =	sdelay $0x3  }
0x97: {  	_ =	strace s4  }
0x98: {  	_ =	strace $0x8FFFFFFF  }
0x99: {  	s20 =	sld [smem:$0x3FDB];
	_ =	sdelay $0x1  }
0x9a: {  	s5 =	simm.s32 $_scs_section_size  }
0x9b: {  	s6 =	simm.s32 $_size__tile_overlayer_lowered;
	s7 =	simm.s32 $_tile_overlayer_lowered  }
0x9c: {  	s23 =	simm.s32 $0x1BFF;
	s22 =	sshll.u32 s7, $0x1;
	s4 =	sadd.s32 s5, s20  }
0x9d: {  	s8 =	simm.s32 $0x0;
	s21 =	sshll.u32 s6, $0x1;
	s6 =	sadd.s32 s22, s4  }
0x9e: {  	[timem:s8], [sflag:s23] =	dma.local [hbm:s6], s21  }
0x9f: {  	_ =	swait.ge [sflag:s23], s21  }
0xa0: {  	s5 =	ssub.s32 $0x0, s21;
	[sflag:s23] =	ssyncset.done $0x0  }
0xa1: {  	[sflag:s23] =	ssyncadd.s32 s5;
	_ =	sdelay $0x1  }
0xa2: {  	s24 =	simm.s32 $0x1B8B  }
0xa3: {  	_ =	swait.ge [sflag:s24], $0x1  }
0xa4: {  	[sflag:s24] =	ssyncset.done $0x0  }
0xa5: {  	s25 =	simm.s32 $0x1B8E;
	[sflag:s24] =	ssyncadd.s32 $0xFFFFFFFF  }
0xa6: {  	s26 =	simm.s32 $execute0_lowered;
	[smem:$0x3FD2] =	sst s25  }
0xa7: {  	s5 =	sshll.u32 s26, $0x1;
	_ =	strace $0x80000046;
	[dreg:$0x1] =	wrdreg $0xFFFFFFFF  }
0xa8: {  	s28 =	simm.s32 $_size_execute0_lowered;
	s4 =	sadd.s32 s4, s5;
	[dreg:$0x0] =	wrdreg $0x0  }
0xa9: {  	s5 =	sshll.u32 s28, $0x1;
	[dreg:$0x2] =	wrdreg s4  }
0xaa: {  	[dreg:$0x3] =	wrdreg s5  }
0xab: {  	[dreg:$0x4] =	wrdreg $0xC0  }
0xac: {  	_ =	task [dreg:s8], $0x5FFFF  }
0xad: {  	[dreg:$0x1] =	wrdreg $0xFFFFFFFF  }
0xae: {  	[dreg:$0x0] =	wrdreg $0x60  }
0xaf: {  	[dreg:$0x2] =	wrdreg s2  }
0xb0: {  	[dreg:$0x3] =	wrdreg s19  }
0xb1: {  	[dreg:$0x4] =	wrdreg $0x52000  }
0xb2: {  	[dreg:$0x5] =	wrdreg $0x9  }
0xb3: {  	_ =	task.clear_ibuf [dreg:s8], $0x6FFFF;
	_ =	strace $0x90000046  }
0xb4: {  	s29 =	simm.s32 $0x9;
	_ =	strace $0x80000048  }
0xb5: {  	_ =	swait.ge [sflag:s29], $0x1  }
0xb6: {  	[sflag:s29] =	ssyncadd.s32 $0xFFFFFFFF  }
0xb7: {  	_ =	strace $0x90000048  }
0xb8: {  	_ =	sfence  }
0xb9: {  	s30 =	sld [smem:$0x0];
	_ =	sdelay $0x2  }
0xba: {  	s31 =	sshll.u32 s1, $0xD;
	s1 =	sshrl.u32 s1, $0x2  }
0xbb: {  	s3 =	sand.u32 $0x4000, s31;
	s1 =	sadd.s32 s1, s30  }
0xbc: {  	s0 =	sor.u32 s3, s0;
	s1 =	sshll.u32 s1, $0x11  }
0xbd: {  	s0 =	sor.u32 s1, s0  }
0xbe: {  	s0 =	sadd.s32 $0x8F2B, s0  }
0xbf: {  	[sflag:s0] =	ssyncadd.remote.s32 $0x1  }
0xc0: {  	_ =	sfence.sel $0xFFFF  }
0xc1: {  	[dreg:$0x0] =	wrdreg $0xFFFFFFFF;
	(pc) =	sbr.abs _section_cstart, $3  }
0xc2: {  	[dreg:$0x1] =	wrdreg $0xFFFFFFFF  }
0xc3: {  	_ =	task.clear_ibuf [dreg:s8], $0x2FFFF;
	_ =	strace $0x9FFFFFFF  }
0xc4: {  	(tm) =	ssettm $0x7FFFFFFF  }
0xc5: {  	_ =	shalt  }
tec
execute0_lowered:
.L_overlay_start_1:
0x0: {  	(tag) =	ssettag $0x1  }
0x1: {  	s8 =	rddreg [dreg:$0x0]  }
0x2: {  	s6 =	rddreg [dreg:$0x1]  }
0x3: {  	s1 =	rddreg [dreg:$0x2];
	s2 =	srdreg.scid  }
0x4: {  	s0 =	rddreg [dreg:$0x3];
	s3 =	simm.s32 $0x0;
	s14 =	simm.s32 $0x2  }
0x5: {  	s15 =	simm.s32 $0x20;
	s5 =	sand.u32 $0x1, s2;
	s2 =	stileid.u32  }
0x6: {  	s16 =	simm.s32 $0x10;
	s17 =	simm.s32 $0x0;
	s9 =	smul.u32 $0xA00, s2  }
0x7: {  	[smem:$0x7FF] =	sst s3;
	s4 =	ssub.s32 $0x2, s5;
	s11 =	smul.u32 $0x9C, s2  }
0x8: {  	_ =	strace $0x80000047;
	s10 =	sshll.u32 s2, $0x1;
	s12 =	smul.u32 $0x4E, s5  }
0x9: {  	p0 =	slt.u32 s2, $0x2;
	s13 =	smul.u32 $0x500, s2;
	s7 =	sshrl.u32 s4, $0x1  }
0xa: {  	s10 =	sor.u32 s5, s10;
	s5 =	sshll.u32 s5, $0x7;
	s7 =	ssub.s32 s4, s7  }
0xb: {  	s4 =	simm.s32 $0x4F;
	s11 =	sadd.s32 s12, s11;
	s10 =	smin.u32 s10, $0x4  }
0xc: {  	s9 =	sshrl.u32 s9, $0x2;
	s30 =	sor.u32 s5, s13;
	s12 =	simm.s32 $0x80  }
0xd: {  	s13 =	simm.s32 $0x4F00;
	s4 =	simm.s32 @!p0 $0x4E;
	s10 =	sadd.s32 s10, s11  }
0xe: {  	s5 =	sadd.s32 s9, s1;
	s31 =	sshrl.u32 s30, $0x3;
	s7 =	smax.u32 s7, $0x1  }
0xf: {  	s9 =	simm.s32 $0x4F80;
	s11 =	simm.s32 $0x1;
	s10 =	sshll.u32 s10, $0x5  }
0x10: {  	v0 =	vimm.f32 $0.0e+00;
	v1 =	vimm.f32 $1.000000000e+00;
	s6 =	sadd.s32 s6, s31;
	s8 =	sadd.s32 s10, s8;
	s10 =	simm.s32 $0x3  }
.LBB2_1:
0x11: {  	p0 =	sne.s32 s4, $0x1  }
.Ltmp0:
0x12: {  	_ = 	snop;
	(pc) =	sbr.rel @!p0 .LBB2_3-.Ltmp0, $3  }
0x13: {  	_ =	sdelay $0x1  }
0x14: {  	[tilespmem:s3], [sflag:$0x1] =	stream.linear.gather [hbm4b:s8+s3], $0x100, $0x38;
	[tilespmem:$0x5480] =	vst v63  }
0x15: {  	s18 =	sadd.s32 $0xFFFFFFFF, s4;
	s19 =	simm.s32 $0x0;
	s20 =	smov.u32 s8  }
.LBB2_2:
0x16: {  	p1 =	sne.s32 s18, $0x1  }
.Ltmp1:
0x17: {  	_ = 	snop;
	(pc) =	sbr.rel @p1 .LBB2_2-.Ltmp1, $4  }
0x18: {  	_ = 	snop  }
0x19: {  	s19 =	sadd.s32 $0x100, s19;
	s20 =	sadd.s32 $0x20, s20  }
0x1a: {  	s18 =	sadd.s32 $0xFFFFFFFF, s18  }
0x1b: {  	[tilespmem:s19], [sflag:$0x1] =	stream.linear.gather [hbm4b:s20+s3], $0x100, $0x38;
	[tilespmem:$0x5480] =	vst v63  }
.LBB2_3:
0x1c: {  	[tilespmem:$0x4F80] =	vst v0  }
0x1d: {  	[tilespmem:$0x4F90] =	vst v0  }
0x1e: {  	[tilespmem:$0x4FA0] =	vst v0  }
0x1f: {  	[tilespmem:$0x4FB0] =	vst v0  }
0x20: {  	[tilespmem:$0x4FC0] =	vst v0  }
0x21: {  	[tilespmem:$0x4FD0] =	vst v0  }
0x22: {  	[tilespmem:$0x4FE0] =	vst v0  }
0x23: {  	[tilespmem:$0x4FF0] =	vst v0  }
0x24: {  	[tilespmem:$0x5000] =	vst v0  }
0x25: {  	[tilespmem:$0x5010] =	vst v0  }
0x26: {  	[tilespmem:$0x5020] =	vst v0  }
0x27: {  	[tilespmem:$0x5030] =	vst v0  }
0x28: {  	[tilespmem:$0x5040] =	vst v0  }
0x29: {  	[tilespmem:$0x5050] =	vst v0  }
0x2a: {  	[tilespmem:$0x5060] =	vst v0  }
0x2b: {  	[tilespmem:$0x5070] =	vst v0  }
0x2c: {  	[tilespmem:$0x5080] =	vst v0  }
0x2d: {  	[tilespmem:$0x5090] =	vst v0  }
0x2e: {  	[tilespmem:$0x50A0] =	vst v0  }
0x2f: {  	[tilespmem:$0x50B0] =	vst v0  }
0x30: {  	[tilespmem:$0x50C0] =	vst v0  }
0x31: {  	[tilespmem:$0x50D0] =	vst v0  }
0x32: {  	[tilespmem:$0x50E0] =	vst v0  }
0x33: {  	[tilespmem:$0x50F0] =	vst v0  }
0x34: {  	[tilespmem:$0x5100] =	vst v0  }
0x35: {  	[tilespmem:$0x5110] =	vst v0  }
0x36: {  	[tilespmem:$0x5120] =	vst v0  }
0x37: {  	[tilespmem:$0x5130] =	vst v0  }
0x38: {  	[tilespmem:$0x5140] =	vst v0  }
0x39: {  	[tilespmem:$0x5150] =	vst v0  }
0x3a: {  	[tilespmem:$0x5160] =	vst v0  }
0x3b: {  	[tilespmem:$0x5170] =	vst v0  }
0x3c: {  	[tilespmem:$0x5180] =	vst v0  }
0x3d: {  	[tilespmem:$0x5190] =	vst v0  }
0x3e: {  	[tilespmem:$0x51A0] =	vst v0  }
0x3f: {  	[tilespmem:$0x51B0] =	vst v0  }
0x40: {  	[tilespmem:$0x51C0] =	vst v0  }
0x41: {  	[tilespmem:$0x51D0] =	vst v0  }
0x42: {  	[tilespmem:$0x51E0] =	vst v0  }
0x43: {  	[tilespmem:$0x51F0] =	vst v0  }
0x44: {  	[spmem:s5] =	stream.linear.scatter [tilespmem:s9], [sflag:$0x3], $0x280, $0x38;
	[tilespmem:$0x5480] =	vst v63  }
0x45: {  	_ =	swait.ge [sflag:s10], $0x280  }
0x46: {  	[sflag:s10] =	ssyncset.done $0x0  }
0x47: {  	[sflag:s10] =	ssyncadd.s32 $0xFFFFFD80  }
0x48: {  	[tilespmem:$0x4F00] =	vst v1  }
0x49: {  	[tilespmem:$0x4F10] =	vst v1  }
0x4a: {  	[tilespmem:$0x4F20] =	vst v1  }
0x4b: {  	[tilespmem:$0x4F30] =	vst v1  }
0x4c: {  	[tilespmem:$0x4F40] =	vst v1  }
.Ltmp2:
0x4d: {  	[tilespmem:$0x4F50] =	vst v1;
	(pc) =	sbr.rel @!p0 .LBB2_5-.Ltmp2, $4  }
0x4e: {  	[tilespmem:$0x4F60] =	vst v1  }
0x4f: {  	[tilespmem:$0x4F70] =	vst v1  }
0x50: {  	_ =	swait.ge [sflag:s11], $0x100  }
0x51: {  	s18 =	sadd.s32 $0xFFFFFFFF, s4;
	[sflag:s11] =	ssyncset.done $0x0  }
.LBB2_4:
0x52: {  	p1 =	sne.s32 s18, $0x1;
	s18 =	sadd.s32 $0xFFFFFFFF, s18;
	[sflag:s11] =	ssyncadd.s32 $0xFFFFFF00  }
.Ltmp3:
0x53: {  	(pc) =	sbr.rel @p1 .LBB2_4-.Ltmp3, $3  }
0x54: {  	_ =	sdelay $0x1  }
0x55: {  	_ =	swait.ge [sflag:s11], $0x100  }
0x56: {  	[sflag:s11] =	ssyncset.done $0x0  }
.LBB2_5:
.Ltmp4:
0x57: {  	(pc) =	sbr.rel @!p0 .LBB2_7-.Ltmp4, $4  }
0x58: {  	_ = 	snop  }
0x59: {  	[sflag:s11] =	ssyncadd.s32 $0xFFFFFF00  }
0x5a: {  	s18 =	simm.s32 $0x80;
	s19 =	sadd.s32 $0xFFFFFFFF, s4;
	[bflag:$0x0] =	sbarrier.arrive $0xFFFF  }
0x5b: {  	[spmem:s1] =	stream.indirect.scatter.add.f32 [tilespmem:s13], [sflag:$0x2], $0x1, s18, s12, $0xb8;
	[tilespmem:$0x5480] =	vst v63  }
.LBB2_6:
0x5c: {  	p1 =	sne.s32 s19, $0x1  }
.Ltmp5:
0x5d: {  	_ = 	snop;
	(pc) =	sbr.rel @p1 .LBB2_6-.Ltmp5, $3  }
0x5e: {  	_ = 	snop  }
0x5f: {  	s19 =	sadd.s32 $0xFFFFFFFF, s19;
	s18 =	sadd.s32 $0x100, s18;
	_ =	sdelay $0x1  }
0x60: {  	[spmem:s1] =	stream.indirect.scatter.add.f32 [tilespmem:s13], [sflag:$0x2], $0x1, s18, s12, $0xb8;
	[tilespmem:$0x5480] =	vst v63  }
.LBB2_7:
.Ltmp6:
0x61: {  	(pc) =	sbr.rel @!p0 .LBB2_9-.Ltmp6, $3  }
0x62: {  	_ =	sdelay $0x1  }
0x63: {  	_ =	swait.ge [sflag:s14], $0x80  }
0x64: {  	s18 =	sadd.s32 $0xFFFFFFFF, s4;
	[sflag:s14] =	ssyncset.done $0x0  }
.LBB2_8:
0x65: {  	p0 =	sne.s32 s18, $0x1;
	s18 =	sadd.s32 $0xFFFFFFFF, s18;
	[sflag:s14] =	ssyncadd.s32 $0xFFFFFF80  }
.Ltmp7:
0x66: {  	(pc) =	sbr.rel @p0 .LBB2_8-.Ltmp7, $3  }
0x67: {  	_ =	sdelay $0x1  }
0x68: {  	_ =	swait.ge [sflag:s14], $0x80  }
0x69: {  	[sflag:s14] =	ssyncset.done $0x0  }
.LBB2_9:
0x6a: {  	[sflag:s14] =	ssyncadd.s32 $0xFFFFFF80;
	s17 =	sadd.s32 $0x1, s17  }
0x6b: {  	s18 =	sshll.u32 s2, $0x6;
	s19 =	sshrl.u32 s5, $0x3;
	p0 =	sne.s32 s17, s7  }
.Ltmp8:
0x6c: {  	[bflag:$0x0] =	sbarrier.arrive $0xFFFF;
	s18 =	sor.u32 $0x1C03, s18;
	(pc) =	sbr.rel @p0 .LBB2_1-.Ltmp8, $4  }
0x6d: {  	[hbm:s6@s15], [sflag:s18] =	dma.strided [spmem:s19@s16], $0x50, s11, $0x10   }
0x6e: {  	_ =	swait.ge [sflag:s10], $0x50  }
0x6f: {  	[sflag:s10] =	ssyncset.done $0x0  }
0x70: {  	[sflag:s10] =	ssyncadd.s32 $0xFFFFFFB0  }
0x71: {  	_ =	sfence.sel $0x180000  }
0x72: {  	[bflag:$0x0] =	sbarrier.arrive $0xFFFF  }
0x73: {  	p0 =	sne.s32 s2, $0x0;
	_ =	strace $0x90000047  }
0x74: {  	s0 =	sadd.s32 @!p0 $0x100000, s0;
	[bflag:$0x2] =	sbarrier.arrive $0xFFFF  }
0x75: {  	[sflag:s0] =	ssyncadd.tile.s32 @!p0 $0x1;
	_ =	shalt  }
.Lfunc_end2:
_tile_overlayer_lowered:
.L_overlay_start_2:
0x76: {  	(tag) =	ssettag $0x2  }
0x77: {  	s0 =	rddreg [dreg:$0x0];
	s2 =	stileid.u32  }
0x78: {  	s1 =	rddreg [dreg:$0x1];
	p0 =	sne.s32 s2, $0x0  }
0x79: {  	s3 =	rddreg [dreg:$0x2];
	[bflag:$0x3] =	sbarrier.arrive $0xFFFF;
	s2 =	simm.s32 @!p0 $0x1C03  }
0x7a: {  	[timem:s3], [sflag:s2] =	dma.local @!p0 [hbm:s0], s1  }
0x7b: {  	s0 =	simm.s32 @!p0 $0x3  }
0x7c: {  	_ =	swait.ge @!p0 [sflag:s0], s1  }
0x7d: {  	s1 =	ssub.s32 @!p0 $0x0, s1;
	[sflag:s0] =	ssyncset.done @!p0 $0x0  }
0x7e: {  	[sflag:s0] =	ssyncadd.s32 @!p0 s1  }
0x7f: {  	[bflag:$0x3] =	sbarrier.arrive $0xFFFF  }
0x80: {  	_ =	shalt  }

// kernel: kernel.9.cloned.1.call-start
scs
__scs_entry_jumppad:
0x0: {  	(pc) =	sbr.rel $0x88, $3  }
0x1: {  	(tag) =	ssettag $0x0;
	lr =	simm.s32 $0x1  }
0x2: {  	[smem:$0x3F9D] =	sst lr;
	_ =	strace $0xD0000000  }
0x3: {  	_ = 	snop  }
0x4: {  	_ = 	snop  }
0x5: {  	_ = 	snop  }
0x6: {  	_ = 	snop  }
0x7: {  	_ = 	snop  }
__scs_overlays_trampoline_lowered:
0x8: {  	[smem:$0x3FAC] =	sst s0  }
0x9: {  	[smem:$0x3FAD] =	sst s1  }
0xa: {  	[smem:$0x3FAE] =	sst s2  }
0xb: {  	[smem:$0x3FAF] =	sst s3  }
0xc: {  	[smem:$0x3FB0] =	sst s4  }
0xd: {  	[smem:$0x3FB1] =	sst s5  }
0xe: {  	[smem:$0x3FB2] =	sst s6  }
0xf: {  	[smem:$0x3FB3] =	sst s7  }
0x10: {  	[smem:$0x3FB4] =	sst s8  }
0x11: {  	[smem:$0x3FB5] =	sst s9;
	s0 =	simm.s32 @!p0 $0x0  }
0x12: {  	s1 =	sld [smem:$0x3F9B];
	s0 =	simm.s32 @p0 $0x1  }
0x13: {  	[smem:$0x3FB6] =	sst s0;
	s0 =	simm.s32 @!p1 $0x0  }
0x14: {  	s2 =	sld [smem:$0x3F9A];
	s0 =	simm.s32 @p1 $0x1  }
0x15: {  	[smem:$0x3FB7] =	sst s0;
	s0 =	simm.s32 @!p2 $0x0  }
0x16: {  	s3 =	sld [smem:$0x3FDB];
	s0 =	simm.s32 @p2 $0x1  }
0x17: {  	s4 =	simm.s32 $0x1BF5;
	[smem:$0x3FB9] =	sst s0  }
0x18: {  	s0 =	sld [smem:$0x3F9C];
	_ =	swait.ge [sflag:s4], $0x0  }
0x19: {  	s7 =	sld [smem:$0x3F9D]  }
0x1a: {  	s8 =	sadd.s32 $0xFFFFE003, lr  }
0x1b: {  	s9 =	sadd.s32 $0xFFFFFEF7, lr;
	s5 =	simm.s32 $0xFFFFFFFF;
	p2 =	slt.u32 s8, $0xFFFFF086  }
0x1c: {  	p1 =	slt.u32 s9, $0xF7A;
	s5 =	simm.s32 @!p2 $0x0  }
0x1d: {  	s5 =	simm.s32 @p1 $0x1;
	p0 =	seq.s32 s7, s2  }
0x1e: {  	s7 =	smul.u32 @!p0 $0xF7A, s2;
	p2 =	seq.s32 @!p0 s5, $0x0  }
0x1f: {  	s9 =	smul.u32 $0xF7A, s1;
	s8 =	simm.s32 @!p0 $0x1BF5;
	p2 =	por !p2, p0  }
0x20: {  	[sflag:s8] =	ssyncset.s32 @!p0 $0xFFFFF086;
	s6 =	sadd.s32 @!p0 s3, s7;
	s7 =	simm.s32 @!p0 $0x108  }
0x21: {  	s3 =	sadd.s32 s3, s9;
	s6 =	sadd.s32 @!p0 $0x88, s6;
	s7 =	simm.s32 @p2 $0x1082  }
0x22: {  	[simem:s7], [sflag:s8] =	dma.local @!p0 [hbm:s6], $0xF7A  }
0x23: {  	s9 =	sor.u32 $0xD0000000, s2;
	s6 =	simm.s32 $0x108;
	_ =	swait.ge @!p0 [sflag:s8], $0x0  }
0x24: {  	s3 =	sadd.s32 $0x88, s3;
	s6 =	simm.s32 @!p1 $0x1082;
	[sflag:s4] =	ssyncset.s32 $0xFFFFF086  }
0x25: {  	[simem:s6], [sflag:s4] =	dma.local [hbm:s3], $0xF7A  }
0x26: {  	[smem:$0x3F9D] =	sst s1;
	(tag) =	ssettag s2;
	_ =	strace s9  }
0x27: {  	s1 =	sld [smem:$0x3FAD]  }
0x28: {  	s2 =	sld [smem:$0x3FAE]  }
0x29: {  	s4 =	sld [smem:$0x3FB0]  }
0x2a: {  	p0 =	seq.s32 s5, $0x0;
	s5 =	sld [smem:$0x3FB1]  }
0x2b: {  	s6 =	sld [smem:$0x3FB2]  }
0x2c: {  	s7 =	sld [smem:$0x3FB3]  }
0x2d: {  	s3 =	simm.s32 $0x108;
	s8 =	sld [smem:$0x3FB4]  }
0x2e: {  	s3 =	simm.s32 @!p0 $0x1082;
	s9 =	sld [smem:$0x3FB5]  }
0x2f: {  	lr =	sadd.s32 s0, s3;
	s0 =	sld [smem:$0x3FAC]  }
0x30: {  	s3 =	sld [smem:$0x3FAF]  }
0x31: {  	[smem:$0x3FB8] =	sst s10  }
0x32: {  	s10 =	sld [smem:$0x3FB6];
	_ =	sdelay $0x3  }
0x33: {  	p0 =	seq.s32 s10, $0x1;
	s10 =	sld [smem:$0x3FB8];
	_ =	sdelay $0x3  }
0x34: {  	[smem:$0x3FB8] =	sst s10  }
0x35: {  	s10 =	sld [smem:$0x3FB7];
	_ =	sdelay $0x3  }
0x36: {  	p1 =	seq.s32 s10, $0x1;
	s10 =	sld [smem:$0x3FB8];
	_ =	sdelay $0x3  }
0x37: {  	[smem:$0x3FB8] =	sst s10  }
0x38: {  	s10 =	sld [smem:$0x3FB9]  }
0x39: {  	_ = 	snop;
	(pc) =	sbr.ind lr, $3  }
0x3a: {  	_ = 	snop  }
0x3b: {  	_ = 	snop  }
0x3c: {  	p2 =	seq.s32 s10, $0x1;
	s10 =	sld [smem:$0x3FB8]  }
0x3d: {  	_ =	shalt  }
0x3e: {  	_ =	shalt  }
0x3f: {  	_ =	shalt  }
0x40: {  	_ =	shalt  }
0x41: {  	_ =	shalt  }
0x42: {  	_ =	shalt  }
0x43: {  	_ =	shalt  }
0x44: {  	_ =	shalt  }
0x45: {  	_ =	shalt  }
0x46: {  	_ =	shalt  }
0x47: {  	_ =	shalt  }
0x48: {  	_ =	shalt  }
0x49: {  	_ =	shalt  }
0x4a: {  	_ =	shalt  }
0x4b: {  	_ =	shalt  }
0x4c: {  	_ =	shalt  }
0x4d: {  	_ =	shalt  }
0x4e: {  	_ =	shalt  }
0x4f: {  	_ =	shalt  }
0x50: {  	_ =	shalt  }
0x51: {  	_ =	shalt  }
0x52: {  	_ =	shalt  }
0x53: {  	_ =	shalt  }
0x54: {  	_ =	shalt  }
0x55: {  	_ =	shalt  }
0x56: {  	_ =	shalt  }
0x57: {  	_ =	shalt  }
0x58: {  	_ =	shalt  }
0x59: {  	_ =	shalt  }
0x5a: {  	_ =	shalt  }
0x5b: {  	_ =	shalt  }
0x5c: {  	_ =	shalt  }
0x5d: {  	_ =	shalt  }
0x5e: {  	_ =	shalt  }
0x5f: {  	_ =	shalt  }
0x60: {  	_ =	shalt  }
0x61: {  	_ =	shalt  }
0x62: {  	_ =	shalt  }
0x63: {  	_ =	shalt  }
0x64: {  	_ =	shalt  }
0x65: {  	_ =	shalt  }
0x66: {  	_ =	shalt  }
0x67: {  	_ =	shalt  }
0x68: {  	_ =	shalt  }
0x69: {  	_ =	shalt  }
0x6a: {  	_ =	shalt  }
0x6b: {  	_ =	shalt  }
0x6c: {  	_ =	shalt  }
0x6d: {  	_ =	shalt  }
0x6e: {  	_ =	shalt  }
0x6f: {  	_ =	shalt  }
0x70: {  	_ =	shalt  }
0x71: {  	_ =	shalt  }
0x72: {  	_ =	shalt  }
0x73: {  	_ =	shalt  }
0x74: {  	_ =	shalt  }
0x75: {  	_ =	shalt  }
0x76: {  	_ =	shalt  }
0x77: {  	_ =	shalt  }
0x78: {  	_ =	shalt  }
0x79: {  	_ =	shalt  }
0x7a: {  	_ =	shalt  }
0x7b: {  	_ =	shalt  }
0x7c: {  	_ =	shalt  }
0x7d: {  	_ =	shalt  }
0x7e: {  	_ =	shalt  }
0x7f: {  	_ =	shalt  }
0x80: {  	_ =	shalt  }
0x81: {  	_ =	shalt  }
0x82: {  	_ =	shalt  }
0x83: {  	_ =	shalt  }
0x84: {  	_ =	shalt  }
0x85: {  	_ =	shalt  }
0x86: {  	_ =	shalt  }
0x87: {  	_ =	shalt  }
.Lfunc_end0:
.L_simem_size_0:
called_computation.1_lowered:
.L_overlay_start_0:
0x88: {  	s2 =	sld [smem:$0x3FD9]  }
0x89: {  	s3 =	sld [smem:$0x3FFE];
	_ =	sdelay $0x1  }
0x8a: {  	s1 =	srdreg.scid  }
0x8b: {  	s0 =	sand.u32 $0x1, s1  }
0x8c: {  	s17 =	sshll.u32 s0, $0xA;
	s2 =	sadd.s32 s3, s2  }
0x8d: {  	s2 =	sadd.s32 s2, s17  }
0x8e: {  	[smem:$0x3FC4] =	sst s2  }
0x8f: {  	_ = 	snop  }
0x90: {  	s2 =	sld [smem:$0x3FC8]  }
0x91: {  	s18 =	sld [smem:$0x3FD0];
	(tm) =	ssettm $0x1  }
0x92: {  	s4 =	sld [smem:$0x3FFB];
	_ =	sdelay $0x3  }
0x93: {  	_ =	strace s4  }
0x94: {  	s4 =	sld [smem:$0x3FFC];
	_ =	sdelay $0x3  }
0x95: {  	_ =	strace s4  }
0x96: {  	s4 =	sld [smem:$0x3FFD];
	_ =	sdelay $0x3  }
0x97: {  	_ =	strace s4  }
0x98: {  	_ =	strace $0x8FFFFFFF  }
0x99: {  	s19 =	sld [smem:$0x3FDB];
	_ =	sdelay $0x1  }
0x9a: {  	s5 =	simm.s32 $_scs_section_size  }
0x9b: {  	s6 =	simm.s32 $_size__tile_overlayer_lowered;
	s7 =	simm.s32 $_tile_overlayer_lowered  }
0x9c: {  	s22 =	simm.s32 $0x1BFF;
	s21 =	sshll.u32 s7, $0x1;
	s4 =	sadd.s32 s5, s19  }
0x9d: {  	s8 =	simm.s32 $0x0;
	s20 =	sshll.u32 s6, $0x1;
	s6 =	sadd.s32 s21, s4  }
0x9e: {  	[timem:s8], [sflag:s22] =	dma.local [hbm:s6], s20  }
0x9f: {  	_ =	swait.ge [sflag:s22], s20  }
0xa0: {  	s5 =	ssub.s32 $0x0, s20;
	[sflag:s22] =	ssyncset.done $0x0  }
0xa1: {  	[sflag:s22] =	ssyncadd.s32 s5;
	_ =	sdelay $0x1  }
0xa2: {  	s23 =	simm.s32 $0x1B8B  }
0xa3: {  	_ =	swait.ge [sflag:s23], $0x1  }
0xa4: {  	[sflag:s23] =	ssyncset.done $0x0  }
0xa5: {  	s25 =	simm.s32 $0x1B8E;
	s24 =	sld [smem:$0x3FFE];
	[sflag:s23] =	ssyncadd.s32 $0xFFFFFFFF  }
0xa6: {  	s26 =	simm.s32 $execute0_lowered;
	[smem:$0x3FD2] =	sst s25  }
0xa7: {  	s6 =	sshll.u32 s26, $0x1;
	_ =	strace $0x80000049;
	[dreg:$0x1] =	wrdreg $0xFFFFFFFF  }
0xa8: {  	s28 =	simm.s32 $_size_execute0_lowered;
	s4 =	sadd.s32 s4, s6;
	[dreg:$0x0] =	wrdreg $0x0  }
0xa9: {  	s6 =	sshll.u32 s28, $0x1;
	[dreg:$0x2] =	wrdreg s4  }
0xaa: {  	[dreg:$0x3] =	wrdreg s6  }
0xab: {  	[dreg:$0x4] =	wrdreg $0xC0  }
0xac: {  	_ =	task [dreg:s8], $0x5FFFF  }
0xad: {  	[dreg:$0x1] =	wrdreg $0xFFFFFFFF  }
0xae: {  	[dreg:$0x0] =	wrdreg $0x60  }
0xaf: {  	[dreg:$0x2] =	wrdreg s18  }
0xb0: {  	[dreg:$0x3] =	wrdreg s2  }
0xb1: {  	[dreg:$0x4] =	wrdreg s24  }
0xb2: {  	[dreg:$0x5] =	wrdreg $0x84000  }
0xb3: {  	[dreg:$0x6] =	wrdreg $0x9  }
0xb4: {  	_ =	task.clear_ibuf [dreg:s8], $0x7FFFF;
	_ =	strace $0x90000049  }
0xb5: {  	s29 =	simm.s32 $0x9;
	_ =	strace $0x8000004B  }
0xb6: {  	_ =	swait.ge [sflag:s29], $0x1  }
0xb7: {  	[sflag:s29] =	ssyncadd.s32 $0xFFFFFFFF  }
0xb8: {  	_ =	strace $0x9000004B  }
0xb9: {  	_ =	sfence  }
0xba: {  	s30 =	sld [smem:$0x0];
	_ =	sdelay $0x2  }
0xbb: {  	s31 =	sshll.u32 s1, $0xD;
	s1 =	sshrl.u32 s1, $0x2  }
0xbc: {  	s3 =	sand.u32 $0x4000, s31;
	s1 =	sadd.s32 s1, s30  }
0xbd: {  	s0 =	sor.u32 s3, s0;
	s1 =	sshll.u32 s1, $0x11  }
0xbe: {  	s0 =	sor.u32 s1, s0  }
0xbf: {  	s0 =	sadd.s32 $0x8F2B, s0  }
0xc0: {  	[sflag:s0] =	ssyncadd.remote.s32 $0x1  }
0xc1: {  	_ =	sfence.sel $0xFFFF  }
0xc2: {  	[dreg:$0x0] =	wrdreg $0xFFFFFFFF;
	(pc) =	sbr.abs _section_cstart, $3  }
0xc3: {  	[dreg:$0x1] =	wrdreg $0xFFFFFFFF  }
0xc4: {  	_ =	task.clear_ibuf [dreg:s8], $0x2FFFF;
	_ =	strace $0x9FFFFFFF  }
0xc5: {  	(tm) =	ssettm $0x7FFFFFFF  }
tec
execute0_lowered:
.L_overlay_start_1:
0x0: {  	(tag) =	ssettag $0x1  }
0x1: {  	s0 =	rddreg [dreg:$0x0]  }
0x2: {  	s1 =	rddreg [dreg:$0x1]  }
0x3: {  	s2 =	srdreg.scid;
	s5 =	rddreg [dreg:$0x2]  }
0x4: {  	s12 =	stileid.u32;
	s3 =	rddreg [dreg:$0x3]  }
0x5: {  	s4 =	simm.s32 $0x0;
	s28 =	simm.s32 $0x8;
	s7 =	smul.u32 $0x14000, s12  }
0x6: {  	s2 =	sand.u32 $0x1, s2;
	[smem:$0x7FF] =	sst s4;
	s19 =	smul.u32 $0x50000, s12  }
0x7: {  	s18 =	sshll.u32 s12, $0x1;
	p0 =	slt.u32 s12, $0x2;
	s22 =	smul.u32 $0x9C, s12  }
0x8: {  	s6 =	smul.u32 $0x140000, s2;
	_ =	strace $0x8000004A;
	s8 =	ssub.s32 $0x2, s2  }
0x9: {  	s10 =	sshrl.u32 s8, $0x1;
	s21 =	sshrl.u32 s19, $0x2;
	s19 =	simm.s32 $0x1  }
0xa: {  	s6 =	sadd.s32 s7, s6;
	s7 =	sor.u32 s2, s18;
	s8 =	ssub.s32 s8, s10  }
0xb: {  	s2 =	smul.u32 $0x4E, s2;
	s18 =	simm.s32 $0x9;
	s6 =	sshrl.u32 s6, $0x3  }
0xc: {  	s9 =	smul.u32 $0x4E, s7;
	s11 =	smin.u32 s7, $0x4;
	s24 =	smax.u32 s8, $0x1  }
0xd: {  	s6 =	sadd.s32 s6, s5;
	s5 =	simm.s32 $0x4F;
	[dreg:$0x9] =	wrdreg s24  }
0xe: {  	s2 =	sadd.s32 s2, s22;
	s22 =	simm.s32 $0x2;
	s24 =	simm.s32 $0x5  }
0xf: {  	s7 =	sadd.s32 s11, s9;
	s5 =	simm.s32 @!p0 $0x4E;
	s6 =	sadd.s32 $0x1400, s6  }
0x10: {  	s2 =	sadd.s32 s11, s2;
	s20 =	sshll.u32 s7, $0x5;
	s7 =	sadd.s32 s21, s3  }
0x11: {  	[dreg:$0x8] =	wrdreg s6;
	s31 =	sadd.s32 $0xFFFFFFFE, s5;
	s2 =	sshll.u32 s2, $0x5  }
0x12: {  	s21 =	simm.s32 $0x100;
	s13 =	sadd.s32 s1, s20;
	[dreg:$0x5] =	wrdreg s31  }
0x13: {  	s25 =	sadd.s32 $0x4000, s7;
	s26 =	sadd.s32 $0x8000, s7;
	[dreg:$0x6] =	wrdreg s13  }
0x14: {  	s29 =	sadd.s32 $0xC000, s7;
	s14 =	sadd.s32 $0x10000, s7;
	[dreg:$0xa] =	wrdreg s25  }
0x15: {  	s30 =	sadd.s32 $0x40, s20;
	s20 =	simm.s32 $0x80;
	[dreg:$0xb] =	wrdreg s26  }
0x16: {  	s23 =	sadd.s32 $0x20, s13;
	[dreg:$0xc] =	wrdreg s29;
	s6 =	sand.u32 $0x1FFFFFE0, s30  }
0x17: {  	s26 =	simm.s32 $0x7;
	s15 =	sadd.s32 s1, s6;
	s1 =	sadd.s32 s1, s2  }
0x18: {  	v0 =	vimm.f32 $0.0e+00;
	[dreg:$0x7] =	wrdreg s23;
	s16 =	ssub.s32 $0xFFFFFFA0, s1;
	s1 =	sadd.s32 $0x60, s1  }
.LBB2_1:
0x19: {  	s2 =	simm.s32 $0x0;
	s8 =	simm.s32 $0x200  }
.LBB2_2:
0x1a: {  	p0 =	sne.s32 s8, $0xFE00;
	[tilespmem:s2+$0x470] =	vst v0  }
0x1b: {  	[tilespmem:s2+$0x400] =	vst v0  }
0x1c: {  	[tilespmem:s2+$0x410] =	vst v0  }
.Ltmp0:
0x1d: {  	[tilespmem:s2+$0x420] =	vst v0;
	(pc) =	sbr.rel @p0 .LBB2_2-.Ltmp0, $4  }
0x1e: {  	[tilespmem:s2+$0x430] =	vst v0  }
0x1f: {  	[tilespmem:s2+$0x440] =	vst v0  }
0x20: {  	[tilespmem:s2+$0x450] =	vst v0  }
0x21: {  	[tilespmem:s2+$0x460] =	vst v0;
	s2 =	sshra.s32 s8, $0x2;
	s8 =	sadd.s32 $0x200, s8  }
0x22: {  	[tilespmem:s2+$0x470] =	vst v0  }
0x23: {  	[tilespmem:s2+$0x400] =	vst v0  }
0x24: {  	[tilespmem:s2+$0x410] =	vst v0  }
0x25: {  	[tilespmem:s2+$0x420] =	vst v0  }
0x26: {  	[tilespmem:s2+$0x430] =	vst v0  }
0x27: {  	[tilespmem:s2+$0x440] =	vst v0  }
0x28: {  	[tilespmem:s2+$0x450] =	vst v0  }
0x29: {  	[tilespmem:s2+$0x460] =	vst v0;
	s29 =	simm.s32 $0x400  }
0x2a: {  	[spmem:s7] =	stream.linear.scatter [tilespmem:s29], [sflag:$0x9], $0x4000, $0x38;
	[tilespmem:$0x1C400] =	vst v63  }
0x2b: {  	_ =	swait.ge [sflag:s18], $0x4000  }
0x2c: {  	[sflag:s18] =	ssyncset.done $0x0  }
0x2d: {  	s10 =	rddreg [dreg:$0xa];
	[sflag:s18] =	ssyncadd.s32 $0xFFFFC000  }
0x2e: {  	[spmem:s10] =	stream.linear.scatter [tilespmem:s29], [sflag:$0x9], $0x4000, $0x38;
	[tilespmem:$0x1C400] =	vst v63  }
0x2f: {  	_ =	swait.ge [sflag:s18], $0x4000  }
0x30: {  	[sflag:s18] =	ssyncset.done $0x0  }
0x31: {  	s11 =	rddreg [dreg:$0xb];
	[sflag:s18] =	ssyncadd.s32 $0xFFFFC000  }
0x32: {  	[spmem:s11] =	stream.linear.scatter [tilespmem:s29], [sflag:$0x9], $0x4000, $0x38;
	[tilespmem:$0x1C400] =	vst v63  }
0x33: {  	_ =	swait.ge [sflag:s18], $0x4000  }
0x34: {  	[sflag:s18] =	ssyncset.done $0x0  }
0x35: {  	s12 =	rddreg [dreg:$0xc];
	[sflag:s18] =	ssyncadd.s32 $0xFFFFC000  }
0x36: {  	[spmem:s12] =	stream.linear.scatter [tilespmem:s29], [sflag:$0x9], $0x4000, $0x38;
	[tilespmem:$0x1C400] =	vst v63  }
0x37: {  	_ =	swait.ge [sflag:s18], $0x4000  }
0x38: {  	[sflag:s18] =	ssyncset.done $0x0  }
0x39: {  	[sflag:s18] =	ssyncadd.s32 $0xFFFFC000  }
0x3a: {  	[spmem:s14] =	stream.linear.scatter [tilespmem:s29], [sflag:$0x9], $0x4000, $0x38;
	[tilespmem:$0x1C400] =	vst v63  }
0x3b: {  	_ =	swait.ge [sflag:s18], $0x4000  }
0x3c: {  	[sflag:s18] =	ssyncset.done $0x0  }
0x3d: {  	[sflag:s18] =	ssyncadd.s32 $0xFFFFC000  }
0x3e: {  	[bflag:$0x0] =	sbarrier.arrive $0xFFFF  }
0x3f: {  	s30 =	simm.s32 $0x0;
	s13 =	rddreg [dreg:$0x6]  }
0x40: {  	[tilespmem:s30], [sflag:$0x1] =	stream.linear.gather [hbm4b:s13+s30], $0x100, $0x38;
	[tilespmem:$0x1C400] =	vst v63  }
0x41: {  	_ =	swait.ge [sflag:s19], $0x100  }
0x42: {  	[sflag:s19] =	ssyncset.done $0x0  }
0x43: {  	[sflag:s19] =	ssyncadd.s32 $0xFFFFFF00  }
0x44: {  	[tilespmem:s29], [sflag:$0x5] =	stream.indirect.gather [hbm4b:s0+s20], $0x80, s30, s20, $0xb8;
	[tilespmem:$0x1C400] =	vst v63  }
0x45: {  	s17 =	rddreg [dreg:$0x7]  }
0x46: {  	[tilespmem:s21], [sflag:$0x2] =	stream.linear.gather [hbm4b:s17+s30], $0x100, $0x38;
	[tilespmem:$0x1C400] =	vst v63  }
0x47: {  	_ =	swait.ge [sflag:s22], $0x100  }
0x48: {  	[sflag:s22] =	ssyncset.done $0x0  }
0x49: {  	s23 =	simm.s32 $0x4400;
	[sflag:s22] =	ssyncadd.s32 $0xFFFFFF00  }
0x4a: {  	[tilespmem:s23], [sflag:$0x6] =	stream.indirect.gather [hbm4b:s0+s20], $0x80, s21, s20, $0xb8;
	[tilespmem:$0x1C400] =	vst v63  }
0x4b: {  	_ =	swait.ge [sflag:s24], $0x4000  }
0x4c: {  	[sflag:s24] =	ssyncset.done $0x0  }
0x4d: {  	[sflag:s24] =	ssyncadd.s32 $0xFFFFC000  }
0x4e: {  	[spmem:s3] =	stream.indirect.scatter.add.f32 [tilespmem:s29], [sflag:$0x7], $0x80, s20, s20, $0xb8;
	[tilespmem:$0x1C400] =	vst v63  }
0x4f: {  	s25 =	simm.s32 $0x200;
	s31 =	smov.u32 s16;
	s17 =	smov.u32 s1  }
0x50: {  	[tilespmem:s25], [sflag:$0x3] =	stream.linear.gather [hbm4b:s15+s30], $0x100, $0x38;
	[tilespmem:$0x1C400] =	vst v63  }
.LBB2_4:
0x51: {  	s2 =	sadd.s32 $0x2, s30  }
0x52: {  	s6 =	sand.u32 $0x3, s2  }
0x53: {  	s10 =	sxor.u32 $0xFFFFFFFF, s30;
	s8 =	sadd.s32 $0x1, s6  }
0x54: {  	s12 =	sadd.s32 $0x3, s30;
	s30 =	sadd.s32 $0x1, s30;
	_ =	swait.ge [sflag:s8], $0x100  }
0x55: {  	s9 =	sand.u32 $0x1, s2;
	s10 =	sand.u32 $0x1, s10;
	[sflag:s8] =	ssyncset.done $0x0  }
0x56: {  	s2 =	sadd.s32 $0x7, s9;
	s11 =	sshll.u32 s9, $0xE;
	[sflag:s8] =	ssyncadd.s32 $0xFFFFFF00  }
0x57: {  	s6 =	sshll.u32 s6, $0x8;
	s25 =	sadd.s32 $0x5, s9;
	_ =	swait.ge [sflag:s2], $0x4000  }
0x58: {  	s13 =	sshll.u32 s10, $0xE;
	s23 =	sor.u32 $0x400, s11;
	[sflag:s2] =	ssyncset.done $0x0  }
0x59: {  	s11 =	sand.u32 $0xC00, s29;
	s8 =	sadd.s32 $0x5, s10;
	[sflag:s2] =	ssyncadd.s32 $0xFFFFC000  }
0x5a: {  	[tilespmem:s23], [sflag:s25] =	stream.indirect.gather [hbm4b:s0+s20], $0x80, s6, s20, $0xb8;
	[tilespmem:$0x1C400] =	vst v63  }
0x5b: {  	s9 =	sor.u32 $0x400, s13;
	s11 =	sshrl.u32 s11, $0x2;
	_ =	swait.ge [sflag:s8], $0x4000  }
0x5c: {  	s11 =	sor.u32 $0x80, s11;
	[sflag:s8] =	ssyncset.done $0x0;
	s13 =	rddreg [dreg:$0x5]  }
0x5d: {  	s10 =	sadd.s32 $0x7, s10;
	[sflag:s8] =	ssyncadd.s32 $0xFFFFC000;
	p1 =	sne.s32 s13, s30  }
0x5e: {  	[spmem:s3] =	stream.indirect.scatter.add.f32 [tilespmem:s9], [sflag:s10], $0x80, s11, s20, $0xb8;
	[tilespmem:$0x1C400] =	vst v63  }
.Ltmp1:
0x5f: {  	_ = 	snop;
	(pc) =	sbr.rel @p1 .LBB2_4-.Ltmp1, $4  }
0x60: {  	p0 =	sge.u32 s12, s5;
	s11 =	sand.u32 $0x3, s12  }
0x61: {  	s12 =	simm.s32 @!p0 $0x0;
	s6 =	sshll.u32 @!p0 s11, $0x8;
	s11 =	sadd.s32 @!p0 $0x1, s11  }
0x62: {  	[tilespmem:s6], [sflag:s11] =	stream.linear.gather @!p0 [hbm4b:s17+s12], $0x100, $0x38;
	[tilespmem:$0x1C400] =	vst v63  }
0x63: {  	s31 =	sadd.s32 $0xFFFFFFE0, s31;
	s29 =	sadd.s32 $0x400, s29;
	s17 =	sadd.s32 $0x20, s17  }
0x64: {  	_ =	swait.ge @!p0 [sflag:s11], $0x100  }
0x65: {  	[sflag:s11] =	ssyncset.done @!p0 $0x0  }
0x66: {  	[sflag:s11] =	ssyncadd.s32 @!p0 $0xFFFFFF00  }
0x67: {  	_ =	swait.ge @!p0 [sflag:s10], $0x4000  }
0x68: {  	[sflag:s10] =	ssyncset.done @!p0 $0x0  }
0x69: {  	[sflag:s10] =	ssyncadd.s32 @!p0 $0xFFFFC000;
	s10 =	simm.s32 @!p0 $0x80  }
0x6a: {  	[tilespmem:s9], [sflag:s8] =	stream.indirect.gather @!p0 [hbm4b:s0+s10], $0x80, s6, s10, $0xb8;
	[tilespmem:$0x1C400] =	vst v63  }
0x6b: {  	s13 =	sand.u32 $0xC00, s29;
	_ =	swait.ge [sflag:s25], $0x4000  }
0x6c: {  	s17 =	sadd.s32 $0x3, s30;
	s6 =	sshrl.u32 s13, $0x2;
	[sflag:s25] =	ssyncset.done $0x0  }
0x6d: {  	p0 =	sge.u32 s17, s5;
	s6 =	sor.u32 $0x80, s6;
	[sflag:s25] =	ssyncadd.s32 $0xFFFFC000  }
0x6e: {  	[spmem:s3] =	stream.indirect.scatter.add.f32 [tilespmem:s23], [sflag:s2], $0x80, s6, s20, $0xb8;
	[tilespmem:$0x1C400] =	vst v63  }
0x6f: {  	s8 =	ssub.s32 @!p0 $0x0, s31;
	s2 =	sand.u32 $0x3, s17  }
0x70: {  	s9 =	simm.s32 @!p0 $0x0;
	s6 =	sshll.u32 @!p0 s2, $0x8;
	s2 =	sadd.s32 @!p0 $0x1, s2  }
0x71: {  	[tilespmem:s6], [sflag:s2] =	stream.linear.gather @!p0 [hbm4b:s8+s9], $0x100, $0x38;
	[tilespmem:$0x1C400] =	vst v63  }
0x72: {  	_ =	swait.ge [sflag:s26], $0x4000  }
0x73: {  	[sflag:s26] =	ssyncset.done $0x0  }
0x74: {  	[sflag:s26] =	ssyncadd.s32 $0xFFFFC000  }
0x75: {  	_ =	swait.ge [sflag:s28], $0x4000  }
0x76: {  	[sflag:s28] =	ssyncset.done $0x0  }
0x77: {  	s25 =	stileid.u32;
	[sflag:s28] =	ssyncadd.s32 $0xFFFFC000  }
0x78: {  	s2 =	sshll.u32 s25, $0x6;
	[bflag:$0x0] =	sbarrier.arrive $0xFFFF  }
0x79: {  	s29 =	sshrl.u32 s7, $0x3;
	s2 =	sor.u32 $0x1C09, s2;
	s30 =	rddreg [dreg:$0x8]  }
0x7a: {  	[hbm:s30], [sflag:s2] =	dma.local [spmem:s29], $0x2800  }
0x7b: {  	_ =	swait.ge [sflag:s18], $0x2800  }
0x7c: {  	s4 =	sadd.s32 $0x1, s4;
	s31 =	rddreg [dreg:$0x9]  }
0x7d: {  	p0 =	sne.s32 s4, s31  }
.Ltmp2:
0x7e: {  	_ = 	snop;
	(pc) =	sbr.rel @p0 .LBB2_1-.Ltmp2, $3  }
0x7f: {  	_ =	sdelay $0x1  }
0x80: {  	[sflag:s18] =	ssyncset.done $0x0  }
0x81: {  	[sflag:s18] =	ssyncadd.s32 $0xFFFFD800  }
0x82: {  	_ =	sfence.sel $0x180000  }
0x83: {  	[bflag:$0x0] =	sbarrier.arrive $0xFFFF  }
0x84: {  	_ =	strace $0x9000004A  }
0x85: {  	s0 =	stileid.u32;
	[bflag:$0x2] =	sbarrier.arrive $0xFFFF  }
0x86: {  	p0 =	sne.s32 s0, $0x0;
	s0 =	rddreg [dreg:$0x4]  }
0x87: {  	s0 =	sadd.s32 @!p0 $0x100000, s0  }
0x88: {  	[sflag:s0] =	ssyncadd.tile.s32 @!p0 $0x1;
	_ =	shalt  }
.Lfunc_end2:
_tile_overlayer_lowered:
.L_overlay_start_2:
0x89: {  	(tag) =	ssettag $0x2  }
0x8a: {  	s0 =	rddreg [dreg:$0x0];
	s2 =	stileid.u32  }
0x8b: {  	s1 =	rddreg [dreg:$0x1];
	p0 =	sne.s32 s2, $0x0  }
0x8c: {  	s3 =	rddreg [dreg:$0x2];
	[bflag:$0x3] =	sbarrier.arrive $0xFFFF;
	s2 =	simm.s32 @!p0 $0x1C09  }
0x8d: {  	[timem:s3], [sflag:s2] =	dma.local @!p0 [hbm:s0], s1  }
0x8e: {  	s0 =	simm.s32 @!p0 $0x9  }
0x8f: {  	_ =	swait.ge @!p0 [sflag:s0], s1  }
0x90: {  	s1 =	ssub.s32 @!p0 $0x0, s1;
	[sflag:s0] =	ssyncset.done @!p0 $0x0  }
0x91: {  	[sflag:s0] =	ssyncadd.s32 @!p0 s1  }
0x92: {  	[bflag:$0x3] =	sbarrier.arrive $0xFFFF  }
0x93: {  	_ =	shalt  }

</sc_bundles>
